<compile_context>
chip_gen: v7x
topology: tpu7x:2x2x1
jax: 0.10.2.dev20260603
libtpu: 0.0.44.dev20260713+nightly
codegen_flags: <defaults>
</compile_context>

<pallas_src>
import functools

import jax
import jax.numpy as jnp
from jax import lax
from jax.experimental import pallas as pl
from jax.experimental.pallas import tpu as pltpu
from jax.experimental.pallas import tpu_sc as plsc

_VOCAB = 50257
_MAX_POS = 2048
_EMBED_DIM = 1024

_NC = 2
_NS = 16
_NW = _NC * _NS

_PPW = _MAX_POS // _NW
_CH = 16
_NH = _PPW // _CH
_NGS = 4


def _make_emb_kernel(n_batch):
    nch = _NH * n_batch

    mesh = plsc.VectorSubcoreMesh(core_axis_name="c", subcore_axis_name="s")

    @functools.partial(
        pl.kernel,
        mesh=mesh,
        out_type=jax.ShapeDtypeStruct((n_batch * _MAX_POS, _EMBED_DIM),
                                      jnp.float32),
        scratch_types=[
            pltpu.VMEM((n_batch, _PPW), jnp.int32),
            pltpu.VMEM((_NGS, _CH, _EMBED_DIM), jnp.float32),
            pltpu.VMEM((2, _CH, _EMBED_DIM), jnp.float32),
            pltpu.SemaphoreType.DMA((_NGS,)),
            pltpu.SemaphoreType.DMA((2,)),
            pltpu.SemaphoreType.DMA((_NGS,)),
        ],
    )
    def emb(idx_hbm, wte_hbm, wpe_hbm, out_hbm, idx_v, gbuf, pbuf,
            gsem, psem, osem):
        wid = lax.axis_index("s") * _NC + lax.axis_index("c")
        pos0 = wid * _PPW
        pltpu.async_copy(wpe_hbm.at[pl.ds(pos0, _CH)], pbuf.at[0],
                         psem.at[0])
        i_desc = [
            pltpu.async_copy(idx_hbm.at[b, pl.ds(pos0, _PPW)], idx_v.at[b],
                             psem.at[1])
            for b in range(n_batch)
        ]
        for d in i_desc:
            d.wait()

        def start_gather(c):
            h, b = divmod(c, n_batch)
            s = c % _NGS
            return pltpu.async_copy(
                wte_hbm.at[idx_v.at[b, pl.ds(h * _CH, _CH)]],
                gbuf.at[s], gsem.at[s])

        def start_gather_t(c):
            h = lax.div(c, n_batch)
            b = lax.rem(c, n_batch)
            s = lax.rem(c, _NGS)
            return pltpu.async_copy(
                wte_hbm.at[idx_v.at[b, pl.ds(h * _CH, _CH)]],
                gbuf.at[s], gsem.at[s])

        def out_copy_t(c, start):
            h = lax.div(c, n_batch)
            b = lax.rem(c, n_batch)
            s = lax.rem(c, _NGS)
            row = b * _MAX_POS + pos0 + h * _CH
            d = pltpu.make_async_copy(
                gbuf.at[s], out_hbm.at[pl.ds(row, _CH)], osem.at[s])
            if start:
                d.start()
            return d

        for c in range(2):
            start_gather(c)

        @pl.loop(0, nch)
        def chunk(c):
            h = lax.div(c, n_batch)
            b = lax.rem(c, n_batch)
            s = lax.rem(c, _NGS)
            hp = lax.rem(h, 2)

            @pl.when(b == 0)
            def _():
                pltpu.make_async_copy(
                    wpe_hbm.at[pl.ds(pos0 + h * _CH, _CH)],
                    pbuf.at[hp], psem.at[hp]).wait()

                @pl.when(h + 1 < _NH)
                def _():
                    pltpu.async_copy(
                        wpe_hbm.at[pl.ds(pos0 + (h + 1) * _CH, _CH)],
                        pbuf.at[1 - hp], psem.at[1 - hp])

            pltpu.make_async_copy(
                wte_hbm.at[idx_v.at[b, pl.ds(h * _CH, _CH)]],
                gbuf.at[s], gsem.at[s]).wait()

            @pl.when(c >= 2)
            def _():
                out_copy_t(c - 2, start=False).wait()

            @pl.when(c + 2 < nch)
            def _():
                start_gather_t(c + 2)

            @plsc.parallel_loop(0, _CH * _EMBED_DIM // 16, unroll=8)
            def add_vec(v):
                r = lax.shift_right_logical(v, 6)
                col = pl.multiple_of(
                    lax.shift_left(lax.bitwise_and(v, 63), 4), 16)
                sl = pl.ds(col, 16)
                plsc.addupdate(gbuf.at[s, r, sl], pbuf[hp, r, sl])

            out_copy_t(c, start=True)

        for c in range(nch - 2, nch):
            h, b = divmod(c, n_batch)
            s = c % _NGS
            row = b * _MAX_POS + pos0 + h * _CH
            pltpu.make_async_copy(
                gbuf.at[s], out_hbm.at[pl.ds(row, _CH)], osem.at[s]).wait()

    return emb


def kernel(input_ids, wte, wpe):
    input_shape = input_ids.shape
    seq = input_shape[-1]
    ids = input_ids.reshape(-1, seq).astype(jnp.int32)
    n_batch = ids.shape[0]
    out = _make_emb_kernel(n_batch)(ids, wte, wpe)
    return out.reshape(n_batch, seq, _EMBED_DIM)

# --- scband reference (transcript-rebuilt; emitter-appended) ---
"""Pipeline reference for scband-gpt2-embeddings-5884105195723 (READ-ONLY COPY).

The authoritative reference and input builder live on the scoring server;
editing this copy changes nothing except your own understanding.
"""

import jax, jax.numpy as jnp
import numpy as np

VOCAB = 50257
MAX_POS = 2048
EMBED_DIM = 1024
BATCH = 4

def setup_inputs(seed: int = 0) -> dict:
    key = jax.random.key(seed)
    k1, k2, k3 = jax.random.split(key, 3)
    input_ids = jax.random.randint(k1, (BATCH, MAX_POS), 0, VOCAB, dtype=jnp.int64 if jax.config.jax_enable_x64 else jnp.int32)
    wte = jax.random.normal(k2, (VOCAB, EMBED_DIM), dtype=jnp.float32) * 0.02
    wpe = jax.random.normal(k3, (MAX_POS, EMBED_DIM), dtype=jnp.float32) * 0.02
    return {"input_ids": input_ids, "wte": wte, "wpe": wpe}

def reference(input_ids, wte, wpe):
    # input_ids: [B, S] with S == MAX_POS
    input_shape = input_ids.shape
    input_ids = input_ids.reshape(-1, input_shape[-1])
    inputs_embeds = jnp.take(wte, input_ids, axis=0)  # [B, S, D]
    position_ids = jnp.arange(0, MAX_POS, dtype=input_ids.dtype).reshape(-1, MAX_POS)  # [1, S]
    position_embeds = jnp.take(wpe, position_ids, axis=0)  # [1, S, D]
    hidden_states = inputs_embeds + position_embeds
    # dropout p=0.0 (eval) -> identity
    return hidden_states

if __name__ == "__main__":
    import jax
    _d = setup_inputs()
    print(jax.jit(kernel)(*tuple(_d.values())))

</pallas_src>

<mosaic_0001>
#map = affine_map<(d0, d1) -> (0, 0)>
module attributes {stable_mosaic.version = 14 : i64} {
  func.func @emb(%arg0: i32, %arg1: i32, %arg2: memref<4x2048xi32, #tpu.memory_space<hbm>>, %arg3: memref<50257x1024xf32, #tpu.memory_space<hbm>>, %arg4: memref<2048x1024xf32, #tpu.memory_space<hbm>>, %arg5: memref<8192x1024xf32, #tpu.memory_space<hbm>>, %arg6: memref<4x64xi32, #tpu.memory_space<vmem>>, %arg7: memref<4x16x1024xf32, #tpu.memory_space<vmem>>, %arg8: memref<2x16x1024xf32, #tpu.memory_space<vmem>>, %arg9: memref<4x!tpu.dma_semaphore, #tpu.memory_space<semaphore_mem>>, %arg10: memref<2x!tpu.dma_semaphore, #tpu.memory_space<semaphore_mem>>, %arg11: memref<4x!tpu.dma_semaphore, #tpu.memory_space<semaphore_mem>>) attributes {dimension_semantics = [#tpu.dimension_semantics<core_parallel>, #tpu.dimension_semantics<subcore_parallel>], iteration_bounds = array<i64: 2, 16>, scalar_prefetch = 0 : i64, scratch_operands = 6 : i64, tpu.core_type = #tpu.core_type<sc_vector_subcore>, window_params = [{transform_indices = #map}, {transform_indices = #map}, {transform_indices = #map}, {transform_indices = #map}]} {
    %mul3A = arith.constant 2 : i32
    %mul3A_0 = arith.muli %arg1, %mul3A : i32
    %add3A = arith.addi %mul3A_0, %arg0 : i32
    %mul3A_1 = arith.constant 64 : i32
    %mul3A_2 = arith.muli %add3A, %mul3A_1 : i32
    %dma_start3A = arith.constant 0 : i32
    %dma_start3A_3 = arith.constant 0 : i32
    %dma_start3A_4 = arith.constant 0 : i32
    %dma_start3A_5 = arith.constant 0 : i32
    %dma_start3A_6 = tpu.memref_slice %arg8[%dma_start3A, %dma_start3A_4, %dma_start3A_5] : memref<2x16x1024xf32, #tpu.memory_space<vmem>> -> memref<1x16x1024xf32, #tpu.memory_space<vmem>>
    %dma_start3A_7 = tpu.memref_squeeze %dma_start3A_6 : memref<1x16x1024xf32, #tpu.memory_space<vmem>> -> memref<16x1024xf32, #tpu.memory_space<vmem>>
    %dma_start3A_8 = arith.constant 0 : i32
    %dma_start3A_9 = tpu.memref_slice %arg4[%mul3A_2, %dma_start3A_8] : memref<2048x1024xf32, #tpu.memory_space<hbm>> -> memref<16x1024xf32, #tpu.memory_space<hbm>>
    %dma_start3A_10 = tpu.memref_slice %arg10[%dma_start3A_3] : memref<2x!tpu.dma_semaphore, #tpu.memory_space<semaphore_mem>> -> memref<1x!tpu.dma_semaphore, #tpu.memory_space<semaphore_mem>>
    %dma_start3A_11 = tpu.memref_squeeze %dma_start3A_10 : memref<1x!tpu.dma_semaphore, #tpu.memory_space<semaphore_mem>> -> memref<!tpu.dma_semaphore, #tpu.memory_space<semaphore_mem>>
    %dma_start3A_12 = arith.constant 0 : i32
    %dma_start3A_13 = arith.constant 0 : i32
    %dma_start3A_14 = tpu.memref_slice %arg8[%dma_start3A, %dma_start3A_12, %dma_start3A_13] : memref<2x16x1024xf32, #tpu.memory_space<vmem>> -> memref<1x16x1024xf32, #tpu.memory_space<vmem>>
    %dma_start3A_15 = tpu.memref_squeeze %dma_start3A_14 : memref<1x16x1024xf32, #tpu.memory_space<vmem>> -> memref<16x1024xf32, #tpu.memory_space<vmem>>
    %dma_start3A_16 = arith.constant 0 : i32
    %dma_start3A_17 = tpu.memref_slice %arg4[%mul3A_2, %dma_start3A_16] : memref<2048x1024xf32, #tpu.memory_space<hbm>> -> memref<16x1024xf32, #tpu.memory_space<hbm>>
    tpu.enqueue_dma source(%dma_start3A_17 : memref<16x1024xf32, #tpu.memory_space<hbm>>) target(%dma_start3A_15 : memref<16x1024xf32, #tpu.memory_space<vmem>>) target_semaphore(%dma_start3A_11 : memref<!tpu.dma_semaphore, #tpu.memory_space<semaphore_mem>>)
    %dma_start3A_18 = arith.constant 0 : i32
    %dma_start3A_19 = arith.constant 0 : i32
    %dma_start3A_20 = arith.constant 1 : i32
    %dma_start3A_21 = arith.constant 0 : i32
    %dma_start3A_22 = tpu.memref_slice %arg6[%dma_start3A_19, %dma_start3A_21] : memref<4x64xi32, #tpu.memory_space<vmem>> -> memref<1x64xi32, #tpu.memory_space<vmem>>
    %dma_start3A_23 = tpu.memref_squeeze %dma_start3A_22 : memref<1x64xi32, #tpu.memory_space<vmem>> -> memref<64xi32, #tpu.memory_space<vmem>>
    %dma_start3A_24 = tpu.memref_slice %arg2[%dma_start3A_18, %mul3A_2] : memref<4x2048xi32, #tpu.memory_space<hbm>> -> memref<1x64xi32, #tpu.memory_space<hbm>>
    %dma_start3A_25 = tpu.memref_squeeze %dma_start3A_24 : memref<1x64xi32, #tpu.memory_space<hbm>> -> memref<64xi32, #tpu.memory_space<hbm>>
    %dma_start3A_26 = tpu.memref_slice %arg10[%dma_start3A_20] : memref<2x!tpu.dma_semaphore, #tpu.memory_space<semaphore_mem>> -> memref<1x!tpu.dma_semaphore, #tpu.memory_space<semaphore_mem>>
    %dma_start3A_27 = tpu.memref_squeeze %dma_start3A_26 : memref<1x!tpu.dma_semaphore, #tpu.memory_space<semaphore_mem>> -> memref<!tpu.dma_semaphore, #tpu.memory_space<semaphore_mem>>
    %dma_start3A_28 = arith.constant 0 : i32
    %dma_start3A_29 = tpu.memref_slice %arg6[%dma_start3A_19, %dma_start3A_28] : memref<4x64xi32, #tpu.memory_space<vmem>> -> memref<1x64xi32, #tpu.memory_space<vmem>>
    %dma_start3A_30 = tpu.memref_squeeze %dma_start3A_29 : memref<1x64xi32, #tpu.memory_space<vmem>> -> memref<64xi32, #tpu.memory_space<vmem>>
    %dma_start3A_31 = tpu.memref_slice %arg2[%dma_start3A_18, %mul3A_2] : memref<4x2048xi32, #tpu.memory_space<hbm>> -> memref<1x64xi32, #tpu.memory_space<hbm>>
    %dma_start3A_32 = tpu.memref_squeeze %dma_start3A_31 : memref<1x64xi32, #tpu.memory_space<hbm>> -> memref<64xi32, #tpu.memory_space<hbm>>
    tpu.enqueue_dma source(%dma_start3A_32 : memref<64xi32, #tpu.memory_space<hbm>>) target(%dma_start3A_30 : memref<64xi32, #tpu.memory_space<vmem>>) target_semaphore(%dma_start3A_27 : memref<!tpu.dma_semaphore, #tpu.memory_space<semaphore_mem>>)
    %dma_start3A_33 = arith.constant 1 : i32
    %dma_start3A_34 = arith.constant 1 : i32
    %dma_start3A_35 = arith.constant 1 : i32
    %dma_start3A_36 = arith.constant 0 : i32
    %dma_start3A_37 = tpu.memref_slice %arg6[%dma_start3A_34, %dma_start3A_36] : memref<4x64xi32, #tpu.memory_space<vmem>> -> memref<1x64xi32, #tpu.memory_space<vmem>>
    %dma_start3A_38 = tpu.memref_squeeze %dma_start3A_37 : memref<1x64xi32, #tpu.memory_space<vmem>> -> memref<64xi32, #tpu.memory_space<vmem>>
    %dma_start3A_39 = tpu.memref_slice %arg2[%dma_start3A_33, %mul3A_2] : memref<4x2048xi32, #tpu.memory_space<hbm>> -> memref<1x64xi32, #tpu.memory_space<hbm>>
    %dma_start3A_40 = tpu.memref_squeeze %dma_start3A_39 : memref<1x64xi32, #tpu.memory_space<hbm>> -> memref<64xi32, #tpu.memory_space<hbm>>
    %dma_start3A_41 = tpu.memref_slice %arg10[%dma_start3A_35] : memref<2x!tpu.dma_semaphore, #tpu.memory_space<semaphore_mem>> -> memref<1x!tpu.dma_semaphore, #tpu.memory_space<semaphore_mem>>
    %dma_start3A_42 = tpu.memref_squeeze %dma_start3A_41 : memref<1x!tpu.dma_semaphore, #tpu.memory_space<semaphore_mem>> -> memref<!tpu.dma_semaphore, #tpu.memory_space<semaphore_mem>>
    %dma_start3A_43 = arith.constant 0 : i32
    %dma_start3A_44 = tpu.memref_slice %arg6[%dma_start3A_34, %dma_start3A_43] : memref<4x64xi32, #tpu.memory_space<vmem>> -> memref<1x64xi32, #tpu.memory_space<vmem>>
    %dma_start3A_45 = tpu.memref_squeeze %dma_start3A_44 : memref<1x64xi32, #tpu.memory_space<vmem>> -> memref<64xi32, #tpu.memory_space<vmem>>
    %dma_start3A_46 = tpu.memref_slice %arg2[%dma_start3A_33, %mul3A_2] : memref<4x2048xi32, #tpu.memory_space<hbm>> -> memref<1x64xi32, #tpu.memory_space<hbm>>
    %dma_start3A_47 = tpu.memref_squeeze %dma_start3A_46 : memref<1x64xi32, #tpu.memory_space<hbm>> -> memref<64xi32, #tpu.memory_space<hbm>>
    tpu.enqueue_dma source(%dma_start3A_47 : memref<64xi32, #tpu.memory_space<hbm>>) target(%dma_start3A_45 : memref<64xi32, #tpu.memory_space<vmem>>) target_semaphore(%dma_start3A_42 : memref<!tpu.dma_semaphore, #tpu.memory_space<semaphore_mem>>)
    %dma_start3A_48 = arith.constant 2 : i32
    %dma_start3A_49 = arith.constant 2 : i32
    %dma_start3A_50 = arith.constant 1 : i32
    %dma_start3A_51 = arith.constant 0 : i32
    %dma_start3A_52 = tpu.memref_slice %arg6[%dma_start3A_49, %dma_start3A_51] : memref<4x64xi32, #tpu.memory_space<vmem>> -> memref<1x64xi32, #tpu.memory_space<vmem>>
    %dma_start3A_53 = tpu.memref_squeeze %dma_start3A_52 : memref<1x64xi32, #tpu.memory_space<vmem>> -> memref<64xi32, #tpu.memory_space<vmem>>
    %dma_start3A_54 = tpu.memref_slice %arg2[%dma_start3A_48, %mul3A_2] : memref<4x2048xi32, #tpu.memory_space<hbm>> -> memref<1x64xi32, #tpu.memory_space<hbm>>
    %dma_start3A_55 = tpu.memref_squeeze %dma_start3A_54 : memref<1x64xi32, #tpu.memory_space<hbm>> -> memref<64xi32, #tpu.memory_space<hbm>>
    %dma_start3A_56 = tpu.memref_slice %arg10[%dma_start3A_50] : memref<2x!tpu.dma_semaphore, #tpu.memory_space<semaphore_mem>> -> memref<1x!tpu.dma_semaphore, #tpu.memory_space<semaphore_mem>>
    %dma_start3A_57 = tpu.memref_squeeze %dma_start3A_56 : memref<1x!tpu.dma_semaphore, #tpu.memory_space<semaphore_mem>> -> memref<!tpu.dma_semaphore, #tpu.memory_space<semaphore_mem>>
    %dma_start3A_58 = arith.constant 0 : i32
    %dma_start3A_59 = tpu.memref_slice %arg6[%dma_start3A_49, %dma_start3A_58] : memref<4x64xi32, #tpu.memory_space<vmem>> -> memref<1x64xi32, #tpu.memory_space<vmem>>
    %dma_start3A_60 = tpu.memref_squeeze %dma_start3A_59 : memref<1x64xi32, #tpu.memory_space<vmem>> -> memref<64xi32, #tpu.memory_space<vmem>>
    %dma_start3A_61 = tpu.memref_slice %arg2[%dma_start3A_48, %mul3A_2] : memref<4x2048xi32, #tpu.memory_space<hbm>> -> memref<1x64xi32, #tpu.memory_space<hbm>>
    %dma_start3A_62 = tpu.memref_squeeze %dma_start3A_61 : memref<1x64xi32, #tpu.memory_space<hbm>> -> memref<64xi32, #tpu.memory_space<hbm>>
    tpu.enqueue_dma source(%dma_start3A_62 : memref<64xi32, #tpu.memory_space<hbm>>) target(%dma_start3A_60 : memref<64xi32, #tpu.memory_space<vmem>>) target_semaphore(%dma_start3A_57 : memref<!tpu.dma_semaphore, #tpu.memory_space<semaphore_mem>>)
    %dma_start3A_63 = arith.constant 3 : i32
    %dma_start3A_64 = arith.constant 3 : i32
    %dma_start3A_65 = arith.constant 1 : i32
    %dma_start3A_66 = arith.constant 0 : i32
    %dma_start3A_67 = tpu.memref_slice %arg6[%dma_start3A_64, %dma_start3A_66] : memref<4x64xi32, #tpu.memory_space<vmem>> -> memref<1x64xi32, #tpu.memory_space<vmem>>
    %dma_start3A_68 = tpu.memref_squeeze %dma_start3A_67 : memref<1x64xi32, #tpu.memory_space<vmem>> -> memref<64xi32, #tpu.memory_space<vmem>>
    %dma_start3A_69 = tpu.memref_slice %arg2[%dma_start3A_63, %mul3A_2] : memref<4x2048xi32, #tpu.memory_space<hbm>> -> memref<1x64xi32, #tpu.memory_space<hbm>>
    %dma_start3A_70 = tpu.memref_squeeze %dma_start3A_69 : memref<1x64xi32, #tpu.memory_space<hbm>> -> memref<64xi32, #tpu.memory_space<hbm>>
    %dma_start3A_71 = tpu.memref_slice %arg10[%dma_start3A_65] : memref<2x!tpu.dma_semaphore, #tpu.memory_space<semaphore_mem>> -> memref<1x!tpu.dma_semaphore, #tpu.memory_space<semaphore_mem>>
    %dma_start3A_72 = tpu.memref_squeeze %dma_start3A_71 : memref<1x!tpu.dma_semaphore, #tpu.memory_space<semaphore_mem>> -> memref<!tpu.dma_semaphore, #tpu.memory_space<semaphore_mem>>
    %dma_start3A_73 = arith.constant 0 : i32
    %dma_start3A_74 = tpu.memref_slice %arg6[%dma_start3A_64, %dma_start3A_73] : memref<4x64xi32, #tpu.memory_space<vmem>> -> memref<1x64xi32, #tpu.memory_space<vmem>>
    %dma_start3A_75 = tpu.memref_squeeze %dma_start3A_74 : memref<1x64xi32, #tpu.memory_space<vmem>> -> memref<64xi32, #tpu.memory_space<vmem>>
    %dma_start3A_76 = tpu.memref_slice %arg2[%dma_start3A_63, %mul3A_2] : memref<4x2048xi32, #tpu.memory_space<hbm>> -> memref<1x64xi32, #tpu.memory_space<hbm>>
    %dma_start3A_77 = tpu.memref_squeeze %dma_start3A_76 : memref<1x64xi32, #tpu.memory_space<hbm>> -> memref<64xi32, #tpu.memory_space<hbm>>
    tpu.enqueue_dma source(%dma_start3A_77 : memref<64xi32, #tpu.memory_space<hbm>>) target(%dma_start3A_75 : memref<64xi32, #tpu.memory_space<vmem>>) target_semaphore(%dma_start3A_72 : memref<!tpu.dma_semaphore, #tpu.memory_space<semaphore_mem>>)
    %dma_wait3A = arith.constant 0 : i32
    %dma_wait3A_78 = arith.constant 0 : i32
    %dma_wait3A_79 = arith.constant 1 : i32
    %dma_wait3A_80 = arith.constant 0 : i32
    %dma_wait3A_81 = tpu.memref_slice %arg6[%dma_wait3A_78, %dma_wait3A_80] : memref<4x64xi32, #tpu.memory_space<vmem>> -> memref<1x64xi32, #tpu.memory_space<vmem>>
    %dma_wait3A_82 = tpu.memref_squeeze %dma_wait3A_81 : memref<1x64xi32, #tpu.memory_space<vmem>> -> memref<64xi32, #tpu.memory_space<vmem>>
    %dma_wait3A_83 = tpu.memref_slice %arg2[%dma_wait3A, %mul3A_2] : memref<4x2048xi32, #tpu.memory_space<hbm>> -> memref<1x64xi32, #tpu.memory_space<hbm>>
    %dma_wait3A_84 = tpu.memref_squeeze %dma_wait3A_83 : memref<1x64xi32, #tpu.memory_space<hbm>> -> memref<64xi32, #tpu.memory_space<hbm>>
    %dma_wait3A_85 = tpu.memref_slice %arg10[%dma_wait3A_79] : memref<2x!tpu.dma_semaphore, #tpu.memory_space<semaphore_mem>> -> memref<1x!tpu.dma_semaphore, #tpu.memory_space<semaphore_mem>>
    %dma_wait3A_86 = tpu.memref_squeeze %dma_wait3A_85 : memref<1x!tpu.dma_semaphore, #tpu.memory_space<semaphore_mem>> -> memref<!tpu.dma_semaphore, #tpu.memory_space<semaphore_mem>>
    %dma_wait3A_87 = arith.constant 0 : i32
    %dma_wait3A_88 = tpu.memref_slice %arg6[%dma_wait3A_78, %dma_wait3A_87] : memref<4x64xi32, #tpu.memory_space<vmem>> -> memref<1x64xi32, #tpu.memory_space<vmem>>
    %dma_wait3A_89 = tpu.memref_squeeze %dma_wait3A_88 : memref<1x64xi32, #tpu.memory_space<vmem>> -> memref<64xi32, #tpu.memory_space<vmem>>
    %dma_wait3A_90 = tpu.memref_slice %arg2[%dma_wait3A, %mul3A_2] : memref<4x2048xi32, #tpu.memory_space<hbm>> -> memref<1x64xi32, #tpu.memory_space<hbm>>
    %dma_wait3A_91 = tpu.memref_squeeze %dma_wait3A_90 : memref<1x64xi32, #tpu.memory_space<hbm>> -> memref<64xi32, #tpu.memory_space<hbm>>
    tpu.wait_dma2 semaphore(%dma_wait3A_86 : memref<!tpu.dma_semaphore, #tpu.memory_space<semaphore_mem>>) src(%dma_wait3A_91 : memref<64xi32, #tpu.memory_space<hbm>>) dst(%dma_wait3A_89 : memref<64xi32, #tpu.memory_space<vmem>>)
    %dma_wait3A_92 = arith.constant 1 : i32
    %dma_wait3A_93 = arith.constant 1 : i32
    %dma_wait3A_94 = arith.constant 1 : i32
    %dma_wait3A_95 = arith.constant 0 : i32
    %dma_wait3A_96 = tpu.memref_slice %arg6[%dma_wait3A_93, %dma_wait3A_95] : memref<4x64xi32, #tpu.memory_space<vmem>> -> memref<1x64xi32, #tpu.memory_space<vmem>>
    %dma_wait3A_97 = tpu.memref_squeeze %dma_wait3A_96 : memref<1x64xi32, #tpu.memory_space<vmem>> -> memref<64xi32, #tpu.memory_space<vmem>>
    %dma_wait3A_98 = tpu.memref_slice %arg2[%dma_wait3A_92, %mul3A_2] : memref<4x2048xi32, #tpu.memory_space<hbm>> -> memref<1x64xi32, #tpu.memory_space<hbm>>
    %dma_wait3A_99 = tpu.memref_squeeze %dma_wait3A_98 : memref<1x64xi32, #tpu.memory_space<hbm>> -> memref<64xi32, #tpu.memory_space<hbm>>
    %dma_wait3A_100 = tpu.memref_slice %arg10[%dma_wait3A_94] : memref<2x!tpu.dma_semaphore, #tpu.memory_space<semaphore_mem>> -> memref<1x!tpu.dma_semaphore, #tpu.memory_space<semaphore_mem>>
    %dma_wait3A_101 = tpu.memref_squeeze %dma_wait3A_100 : memref<1x!tpu.dma_semaphore, #tpu.memory_space<semaphore_mem>> -> memref<!tpu.dma_semaphore, #tpu.memory_space<semaphore_mem>>
    %dma_wait3A_102 = arith.constant 0 : i32
    %dma_wait3A_103 = tpu.memref_slice %arg6[%dma_wait3A_93, %dma_wait3A_102] : memref<4x64xi32, #tpu.memory_space<vmem>> -> memref<1x64xi32, #tpu.memory_space<vmem>>
    %dma_wait3A_104 = tpu.memref_squeeze %dma_wait3A_103 : memref<1x64xi32, #tpu.memory_space<vmem>> -> memref<64xi32, #tpu.memory_space<vmem>>
    %dma_wait3A_105 = tpu.memref_slice %arg2[%dma_wait3A_92, %mul3A_2] : memref<4x2048xi32, #tpu.memory_space<hbm>> -> memref<1x64xi32, #tpu.memory_space<hbm>>
    %dma_wait3A_106 = tpu.memref_squeeze %dma_wait3A_105 : memref<1x64xi32, #tpu.memory_space<hbm>> -> memref<64xi32, #tpu.memory_space<hbm>>
    tpu.wait_dma2 semaphore(%dma_wait3A_101 : memref<!tpu.dma_semaphore, #tpu.memory_space<semaphore_mem>>) src(%dma_wait3A_106 : memref<64xi32, #tpu.memory_space<hbm>>) dst(%dma_wait3A_104 : memref<64xi32, #tpu.memory_space<vmem>>)
    %dma_wait3A_107 = arith.constant 2 : i32
    %dma_wait3A_108 = arith.constant 2 : i32
    %dma_wait3A_109 = arith.constant 1 : i32
    %dma_wait3A_110 = arith.constant 0 : i32
    %dma_wait3A_111 = tpu.memref_slice %arg6[%dma_wait3A_108, %dma_wait3A_110] : memref<4x64xi32, #tpu.memory_space<vmem>> -> memref<1x64xi32, #tpu.memory_space<vmem>>
    %dma_wait3A_112 = tpu.memref_squeeze %dma_wait3A_111 : memref<1x64xi32, #tpu.memory_space<vmem>> -> memref<64xi32, #tpu.memory_space<vmem>>
    %dma_wait3A_113 = tpu.memref_slice %arg2[%dma_wait3A_107, %mul3A_2] : memref<4x2048xi32, #tpu.memory_space<hbm>> -> memref<1x64xi32, #tpu.memory_space<hbm>>
    %dma_wait3A_114 = tpu.memref_squeeze %dma_wait3A_113 : memref<1x64xi32, #tpu.memory_space<hbm>> -> memref<64xi32, #tpu.memory_space<hbm>>
    %dma_wait3A_115 = tpu.memref_slice %arg10[%dma_wait3A_109] : memref<2x!tpu.dma_semaphore, #tpu.memory_space<semaphore_mem>> -> memref<1x!tpu.dma_semaphore, #tpu.memory_space<semaphore_mem>>
    %dma_wait3A_116 = tpu.memref_squeeze %dma_wait3A_115 : memref<1x!tpu.dma_semaphore, #tpu.memory_space<semaphore_mem>> -> memref<!tpu.dma_semaphore, #tpu.memory_space<semaphore_mem>>
    %dma_wait3A_117 = arith.constant 0 : i32
    %dma_wait3A_118 = tpu.memref_slice %arg6[%dma_wait3A_108, %dma_wait3A_117] : memref<4x64xi32, #tpu.memory_space<vmem>> -> memref<1x64xi32, #tpu.memory_space<vmem>>
    %dma_wait3A_119 = tpu.memref_squeeze %dma_wait3A_118 : memref<1x64xi32, #tpu.memory_space<vmem>> -> memref<64xi32, #tpu.memory_space<vmem>>
    %dma_wait3A_120 = tpu.memref_slice %arg2[%dma_wait3A_107, %mul3A_2] : memref<4x2048xi32, #tpu.memory_space<hbm>> -> memref<1x64xi32, #tpu.memory_space<hbm>>
    %dma_wait3A_121 = tpu.memref_squeeze %dma_wait3A_120 : memref<1x64xi32, #tpu.memory_space<hbm>> -> memref<64xi32, #tpu.memory_space<hbm>>
    tpu.wait_dma2 semaphore(%dma_wait3A_116 : memref<!tpu.dma_semaphore, #tpu.memory_space<semaphore_mem>>) src(%dma_wait3A_121 : memref<64xi32, #tpu.memory_space<hbm>>) dst(%dma_wait3A_119 : memref<64xi32, #tpu.memory_space<vmem>>)
    %dma_wait3A_122 = arith.constant 3 : i32
    %dma_wait3A_123 = arith.constant 3 : i32
    %dma_wait3A_124 = arith.constant 1 : i32
    %dma_wait3A_125 = arith.constant 0 : i32
    %dma_wait3A_126 = tpu.memref_slice %arg6[%dma_wait3A_123, %dma_wait3A_125] : memref<4x64xi32, #tpu.memory_space<vmem>> -> memref<1x64xi32, #tpu.memory_space<vmem>>
    %dma_wait3A_127 = tpu.memref_squeeze %dma_wait3A_126 : memref<1x64xi32, #tpu.memory_space<vmem>> -> memref<64xi32, #tpu.memory_space<vmem>>
    %dma_wait3A_128 = tpu.memref_slice %arg2[%dma_wait3A_122, %mul3A_2] : memref<4x2048xi32, #tpu.memory_space<hbm>> -> memref<1x64xi32, #tpu.memory_space<hbm>>
    %dma_wait3A_129 = tpu.memref_squeeze %dma_wait3A_128 : memref<1x64xi32, #tpu.memory_space<hbm>> -> memref<64xi32, #tpu.memory_space<hbm>>
    %dma_wait3A_130 = tpu.memref_slice %arg10[%dma_wait3A_124] : memref<2x!tpu.dma_semaphore, #tpu.memory_space<semaphore_mem>> -> memref<1x!tpu.dma_semaphore, #tpu.memory_space<semaphore_mem>>
    %dma_wait3A_131 = tpu.memref_squeeze %dma_wait3A_130 : memref<1x!tpu.dma_semaphore, #tpu.memory_space<semaphore_mem>> -> memref<!tpu.dma_semaphore, #tpu.memory_space<semaphore_mem>>
    %dma_wait3A_132 = arith.constant 0 : i32
    %dma_wait3A_133 = tpu.memref_slice %arg6[%dma_wait3A_123, %dma_wait3A_132] : memref<4x64xi32, #tpu.memory_space<vmem>> -> memref<1x64xi32, #tpu.memory_space<vmem>>
    %dma_wait3A_134 = tpu.memref_squeeze %dma_wait3A_133 : memref<1x64xi32, #tpu.memory_space<vmem>> -> memref<64xi32, #tpu.memory_space<vmem>>
    %dma_wait3A_135 = tpu.memref_slice %arg2[%dma_wait3A_122, %mul3A_2] : memref<4x2048xi32, #tpu.memory_space<hbm>> -> memref<1x64xi32, #tpu.memory_space<hbm>>
    %dma_wait3A_136 = tpu.memref_squeeze %dma_wait3A_135 : memref<1x64xi32, #tpu.memory_space<hbm>> -> memref<64xi32, #tpu.memory_space<hbm>>
    tpu.wait_dma2 semaphore(%dma_wait3A_131 : memref<!tpu.dma_semaphore, #tpu.memory_space<semaphore_mem>>) src(%dma_wait3A_136 : memref<64xi32, #tpu.memory_space<hbm>>) dst(%dma_wait3A_134 : memref<64xi32, #tpu.memory_space<vmem>>)
    %dma_start3A_137 = arith.constant 0 : i32
    %dma_start3A_138 = arith.constant 0 : i32
    %dma_start3A_139 = arith.constant 0 : i32
    %dma_start3A_140 = arith.constant 0 : i32
    %dma_start3A_141 = arith.constant 0 : i32
    %dma_start3A_142 = tpu.memref_slice %arg7[%dma_start3A_138, %dma_start3A_140, %dma_start3A_141] : memref<4x16x1024xf32, #tpu.memory_space<vmem>> -> memref<1x16x1024xf32, #tpu.memory_space<vmem>>
    %dma_start3A_143 = tpu.memref_squeeze %dma_start3A_142 : memref<1x16x1024xf32, #tpu.memory_space<vmem>> -> memref<16x1024xf32, #tpu.memory_space<vmem>>
    %dma_start3A_144 = arith.constant 0 : i32
    %dma_start3A_145 = tpu.memref_slice %arg6[%dma_start3A_137, %dma_start3A_144] : memref<4x64xi32, #tpu.memory_space<vmem>> -> memref<1x16xi32, #tpu.memory_space<vmem>>
    %dma_start3A_146 = tpu.memref_squeeze %dma_start3A_145 : memref<1x16xi32, #tpu.memory_space<vmem>> -> memref<16xi32, #tpu.memory_space<vmem>>
    %dma_start3A_147 = arith.constant 0 : i32
    %dma_start3A_148 = arith.constant 0 : i32
    %dma_start3A_149 = tpu.memref_slice %arg3[%dma_start3A_147, %dma_start3A_148] : memref<50257x1024xf32, #tpu.memory_space<hbm>> -> memref<50257x1024xf32, #tpu.memory_space<hbm>>
    %dma_start3A_150 = tpu.memref_slice %arg9[%dma_start3A_139] : memref<4x!tpu.dma_semaphore, #tpu.memory_space<semaphore_mem>> -> memref<1x!tpu.dma_semaphore, #tpu.memory_space<semaphore_mem>>
    %dma_start3A_151 = tpu.memref_squeeze %dma_start3A_150 : memref<1x!tpu.dma_semaphore, #tpu.memory_space<semaphore_mem>> -> memref<!tpu.dma_semaphore, #tpu.memory_space<semaphore_mem>>
    tpu.enqueue_indirect_dma source(%dma_start3A_149 : memref<50257x1024xf32, #tpu.memory_space<hbm>>) target(%dma_start3A_143 : memref<16x1024xf32, #tpu.memory_space<vmem>>) offsets(%dma_start3A_146 : memref<16xi32, #tpu.memory_space<vmem>>) semaphore(%dma_start3A_151 : memref<!tpu.dma_semaphore, #tpu.memory_space<semaphore_mem>>)
    %dma_start3A_152 = arith.constant 1 : i32
    %dma_start3A_153 = arith.constant 1 : i32
    %dma_start3A_154 = arith.constant 1 : i32
    %dma_start3A_155 = arith.constant 0 : i32
    %dma_start3A_156 = arith.constant 0 : i32
    %dma_start3A_157 = tpu.memref_slice %arg7[%dma_start3A_153, %dma_start3A_155, %dma_start3A_156] : memref<4x16x1024xf32, #tpu.memory_space<vmem>> -> memref<1x16x1024xf32, #tpu.memory_space<vmem>>
    %dma_start3A_158 = tpu.memref_squeeze %dma_start3A_157 : memref<1x16x1024xf32, #tpu.memory_space<vmem>> -> memref<16x1024xf32, #tpu.memory_space<vmem>>
    %dma_start3A_159 = arith.constant 0 : i32
    %dma_start3A_160 = tpu.memref_slice %arg6[%dma_start3A_152, %dma_start3A_159] : memref<4x64xi32, #tpu.memory_space<vmem>> -> memref<1x16xi32, #tpu.memory_space<vmem>>
    %dma_start3A_161 = tpu.memref_squeeze %dma_start3A_160 : memref<1x16xi32, #tpu.memory_space<vmem>> -> memref<16xi32, #tpu.memory_space<vmem>>
    %dma_start3A_162 = arith.constant 0 : i32
    %dma_start3A_163 = arith.constant 0 : i32
    %dma_start3A_164 = tpu.memref_slice %arg3[%dma_start3A_162, %dma_start3A_163] : memref<50257x1024xf32, #tpu.memory_space<hbm>> -> memref<50257x1024xf32, #tpu.memory_space<hbm>>
    %dma_start3A_165 = tpu.memref_slice %arg9[%dma_start3A_154] : memref<4x!tpu.dma_semaphore, #tpu.memory_space<semaphore_mem>> -> memref<1x!tpu.dma_semaphore, #tpu.memory_space<semaphore_mem>>
    %dma_start3A_166 = tpu.memref_squeeze %dma_start3A_165 : memref<1x!tpu.dma_semaphore, #tpu.memory_space<semaphore_mem>> -> memref<!tpu.dma_semaphore, #tpu.memory_space<semaphore_mem>>
    tpu.enqueue_indirect_dma source(%dma_start3A_164 : memref<50257x1024xf32, #tpu.memory_space<hbm>>) target(%dma_start3A_158 : memref<16x1024xf32, #tpu.memory_space<vmem>>) offsets(%dma_start3A_161 : memref<16xi32, #tpu.memory_space<vmem>>) semaphore(%dma_start3A_166 : memref<!tpu.dma_semaphore, #tpu.memory_space<semaphore_mem>>)
    %scan3A = arith.constant 0 : i32
    %scan3A_167 = arith.constant 16 : i32
    %scan3A_168 = arith.addi %scan3A, %scan3A_167 : i32
    %scan3A_169 = arith.constant 1 : i32
    scf.for %scan3A_211 = %scan3A to %scan3A_168 step %scan3A_169  : i32 {
      %mul3A_212 = arith.constant 1 : i32
      %mul3A_213 = arith.muli %scan3A_211, %mul3A_212 : i32
      %add3A_214 = arith.constant 0 : i32
      %add3A_215 = arith.addi %add3A_214, %mul3A_213 : i32
      %div3A = arith.constant 4 : i32
      %div3A_216 = arith.divsi %add3A_215, %div3A : i32
      %rem3A = arith.constant 4 : i32
      %rem3A_217 = arith.remsi %add3A_215, %rem3A : i32
      %rem3A_218 = arith.constant 4 : i32
      %rem3A_219 = arith.remsi %add3A_215, %rem3A_218 : i32
      %rem3A_220 = arith.constant 2 : i32
      %rem3A_221 = arith.remsi %div3A_216, %rem3A_220 : i32
      %eq3A = arith.constant 0 : i32
      %eq3A_222 = arith.cmpi eq, %rem3A_217, %eq3A : i32
      %convert_element_type3A = arith.extui %eq3A_222 : i1 to i32
      %cond3A = arith.constant 0 : i32
      %cond3A_223 = arith.cmpi ne, %convert_element_type3A, %cond3A : i32
      scf.if %cond3A_223 {
        %mul3A_275 = arith.constant 16 : i32
        %mul3A_276 = arith.muli %div3A_216, %mul3A_275 : i32
        %add3A_277 = arith.addi %mul3A_2, %mul3A_276 : i32
        %dma_wait3A_278 = arith.constant 0 : i32
        %dma_wait3A_279 = arith.constant 0 : i32
        %dma_wait3A_280 = tpu.memref_slice %arg8[%rem3A_221, %dma_wait3A_278, %dma_wait3A_279] : memref<2x16x1024xf32, #tpu.memory_space<vmem>> -> memref<1x16x1024xf32, #tpu.memory_space<vmem>>
        %dma_wait3A_281 = tpu.memref_squeeze %dma_wait3A_280 : memref<1x16x1024xf32, #tpu.memory_space<vmem>> -> memref<16x1024xf32, #tpu.memory_space<vmem>>
        %dma_wait3A_282 = arith.constant 0 : i32
        %dma_wait3A_283 = tpu.memref_slice %arg4[%add3A_277, %dma_wait3A_282] : memref<2048x1024xf32, #tpu.memory_space<hbm>> -> memref<16x1024xf32, #tpu.memory_space<hbm>>
        %dma_wait3A_284 = tpu.memref_slice %arg10[%rem3A_221] : memref<2x!tpu.dma_semaphore, #tpu.memory_space<semaphore_mem>> -> memref<1x!tpu.dma_semaphore, #tpu.memory_space<semaphore_mem>>
        %dma_wait3A_285 = tpu.memref_squeeze %dma_wait3A_284 : memref<1x!tpu.dma_semaphore, #tpu.memory_space<semaphore_mem>> -> memref<!tpu.dma_semaphore, #tpu.memory_space<semaphore_mem>>
        %dma_wait3A_286 = arith.constant 0 : i32
        %dma_wait3A_287 = arith.constant 0 : i32
        %dma_wait3A_288 = tpu.memref_slice %arg8[%rem3A_221, %dma_wait3A_286, %dma_wait3A_287] : memref<2x16x1024xf32, #tpu.memory_space<vmem>> -> memref<1x16x1024xf32, #tpu.memory_space<vmem>>
        %dma_wait3A_289 = tpu.memref_squeeze %dma_wait3A_288 : memref<1x16x1024xf32, #tpu.memory_space<vmem>> -> memref<16x1024xf32, #tpu.memory_space<vmem>>
        %dma_wait3A_290 = arith.constant 0 : i32
        %dma_wait3A_291 = tpu.memref_slice %arg4[%add3A_277, %dma_wait3A_290] : memref<2048x1024xf32, #tpu.memory_space<hbm>> -> memref<16x1024xf32, #tpu.memory_space<hbm>>
        tpu.wait_dma2 semaphore(%dma_wait3A_285 : memref<!tpu.dma_semaphore, #tpu.memory_space<semaphore_mem>>) src(%dma_wait3A_291 : memref<16x1024xf32, #tpu.memory_space<hbm>>) dst(%dma_wait3A_289 : memref<16x1024xf32, #tpu.memory_space<vmem>>)
        %add3A_292 = arith.constant 1 : i32
        %add3A_293 = arith.addi %div3A_216, %add3A_292 : i32
        %lt3A_294 = arith.constant 4 : i32
        %lt3A_295 = arith.cmpi slt, %add3A_293, %lt3A_294 : i32
        %convert_element_type3A_296 = arith.extui %lt3A_295 : i1 to i32
        %cond3A_297 = arith.constant 0 : i32
        %cond3A_298 = arith.cmpi ne, %convert_element_type3A_296, %cond3A_297 : i32
        scf.if %cond3A_298 {
          %add3A_299 = arith.constant 1 : i32
          %add3A_300 = arith.addi %div3A_216, %add3A_299 : i32
          %mul3A_301 = arith.constant 16 : i32
          %mul3A_302 = arith.muli %add3A_300, %mul3A_301 : i32
          %add3A_303 = arith.addi %mul3A_2, %mul3A_302 : i32
          %sub3A = arith.constant 1 : i32
          %sub3A_304 = arith.subi %sub3A, %rem3A_221 : i32
          %sub3A_305 = arith.constant 1 : i32
          %sub3A_306 = arith.subi %sub3A_305, %rem3A_221 : i32
          %dma_start3A_307 = arith.constant 0 : i32
          %dma_start3A_308 = arith.constant 0 : i32
          %dma_start3A_309 = tpu.memref_slice %arg8[%sub3A_304, %dma_start3A_307, %dma_start3A_308] : memref<2x16x1024xf32, #tpu.memory_space<vmem>> -> memref<1x16x1024xf32, #tpu.memory_space<vmem>>
          %dma_start3A_310 = tpu.memref_squeeze %dma_start3A_309 : memref<1x16x1024xf32, #tpu.memory_space<vmem>> -> memref<16x1024xf32, #tpu.memory_space<vmem>>
          %dma_start3A_311 = arith.constant 0 : i32
          %dma_start3A_312 = tpu.memref_slice %arg4[%add3A_303, %dma_start3A_311] : memref<2048x1024xf32, #tpu.memory_space<hbm>> -> memref<16x1024xf32, #tpu.memory_space<hbm>>
          %dma_start3A_313 = tpu.memref_slice %arg10[%sub3A_306] : memref<2x!tpu.dma_semaphore, #tpu.memory_space<semaphore_mem>> -> memref<1x!tpu.dma_semaphore, #tpu.memory_space<semaphore_mem>>
          %dma_start3A_314 = tpu.memref_squeeze %dma_start3A_313 : memref<1x!tpu.dma_semaphore, #tpu.memory_space<semaphore_mem>> -> memref<!tpu.dma_semaphore, #tpu.memory_space<semaphore_mem>>
          %dma_start3A_315 = arith.constant 0 : i32
          %dma_start3A_316 = arith.constant 0 : i32
          %dma_start3A_317 = tpu.memref_slice %arg8[%sub3A_304, %dma_start3A_315, %dma_start3A_316] : memref<2x16x1024xf32, #tpu.memory_space<vmem>> -> memref<1x16x1024xf32, #tpu.memory_space<vmem>>
          %dma_start3A_318 = tpu.memref_squeeze %dma_start3A_317 : memref<1x16x1024xf32, #tpu.memory_space<vmem>> -> memref<16x1024xf32, #tpu.memory_space<vmem>>
          %dma_start3A_319 = arith.constant 0 : i32
          %dma_start3A_320 = tpu.memref_slice %arg4[%add3A_303, %dma_start3A_319] : memref<2048x1024xf32, #tpu.memory_space<hbm>> -> memref<16x1024xf32, #tpu.memory_space<hbm>>
          tpu.enqueue_dma source(%dma_start3A_320 : memref<16x1024xf32, #tpu.memory_space<hbm>>) target(%dma_start3A_318 : memref<16x1024xf32, #tpu.memory_space<vmem>>) target_semaphore(%dma_start3A_314 : memref<!tpu.dma_semaphore, #tpu.memory_space<semaphore_mem>>)
        } else {
        }
      } else {
      }
      %mul3A_224 = arith.constant 16 : i32
      %mul3A_225 = arith.muli %div3A_216, %mul3A_224 : i32
      %dma_wait3A_226 = arith.constant 0 : i32
      %dma_wait3A_227 = arith.constant 0 : i32
      %dma_wait3A_228 = tpu.memref_slice %arg7[%rem3A_219, %dma_wait3A_226, %dma_wait3A_227] : memref<4x16x1024xf32, #tpu.memory_space<vmem>> -> memref<1x16x1024xf32, #tpu.memory_space<vmem>>
      %dma_wait3A_229 = tpu.memref_squeeze %dma_wait3A_228 : memref<1x16x1024xf32, #tpu.memory_space<vmem>> -> memref<16x1024xf32, #tpu.memory_space<vmem>>
      %dma_wait3A_230 = tpu.memref_slice %arg6[%rem3A_217, %mul3A_225] : memref<4x64xi32, #tpu.memory_space<vmem>> -> memref<1x16xi32, #tpu.memory_space<vmem>>
      %dma_wait3A_231 = tpu.memref_squeeze %dma_wait3A_230 : memref<1x16xi32, #tpu.memory_space<vmem>> -> memref<16xi32, #tpu.memory_space<vmem>>
      %dma_wait3A_232 = arith.constant 0 : i32
      %dma_wait3A_233 = arith.constant 0 : i32
      %dma_wait3A_234 = tpu.memref_slice %arg3[%dma_wait3A_232, %dma_wait3A_233] : memref<50257x1024xf32, #tpu.memory_space<hbm>> -> memref<50257x1024xf32, #tpu.memory_space<hbm>>
      %dma_wait3A_235 = tpu.memref_slice %arg9[%rem3A_219] : memref<4x!tpu.dma_semaphore, #tpu.memory_space<semaphore_mem>> -> memref<1x!tpu.dma_semaphore, #tpu.memory_space<semaphore_mem>>
      %dma_wait3A_236 = tpu.memref_squeeze %dma_wait3A_235 : memref<1x!tpu.dma_semaphore, #tpu.memory_space<semaphore_mem>> -> memref<!tpu.dma_semaphore, #tpu.memory_space<semaphore_mem>>
      tpu.wait_indirect_dma semaphore(%dma_wait3A_236 : memref<!tpu.dma_semaphore, #tpu.memory_space<semaphore_mem>>) src(%dma_wait3A_234 : memref<50257x1024xf32, #tpu.memory_space<hbm>>) dst(%dma_wait3A_229 : memref<16x1024xf32, #tpu.memory_space<vmem>>)
      %ge3A = arith.constant 2 : i32
      %ge3A_237 = arith.cmpi sge, %add3A_215, %ge3A : i32
      %convert_element_type3A_238 = arith.extui %ge3A_237 : i1 to i32
      %cond3A_239 = arith.constant 0 : i32
      %cond3A_240 = arith.cmpi ne, %convert_element_type3A_238, %cond3A_239 : i32
      scf.if %cond3A_240 {
        %sub3A = arith.constant 2 : i32
        %sub3A_275 = arith.subi %add3A_215, %sub3A : i32
        %div3A_276 = arith.constant 4 : i32
        %div3A_277 = arith.divsi %sub3A_275, %div3A_276 : i32
        %rem3A_278 = arith.constant 4 : i32
        %rem3A_279 = arith.remsi %sub3A_275, %rem3A_278 : i32
        %rem3A_280 = arith.constant 4 : i32
        %rem3A_281 = arith.remsi %sub3A_275, %rem3A_280 : i32
        %mul3A_282 = arith.constant 2048 : i32
        %mul3A_283 = arith.muli %rem3A_279, %mul3A_282 : i32
        %add3A_284 = arith.addi %mul3A_283, %mul3A_2 : i32
        %mul3A_285 = arith.constant 16 : i32
        %mul3A_286 = arith.muli %div3A_277, %mul3A_285 : i32
        %add3A_287 = arith.addi %add3A_284, %mul3A_286 : i32
        %dma_wait3A_288 = arith.constant 0 : i32
        %dma_wait3A_289 = arith.constant 0 : i32
        %dma_wait3A_290 = tpu.memref_slice %arg7[%rem3A_281, %dma_wait3A_288, %dma_wait3A_289] : memref<4x16x1024xf32, #tpu.memory_space<vmem>> -> memref<1x16x1024xf32, #tpu.memory_space<vmem>>
        %dma_wait3A_291 = tpu.memref_squeeze %dma_wait3A_290 : memref<1x16x1024xf32, #tpu.memory_space<vmem>> -> memref<16x1024xf32, #tpu.memory_space<vmem>>
        %dma_wait3A_292 = arith.constant 0 : i32
        %dma_wait3A_293 = tpu.memref_slice %arg5[%add3A_287, %dma_wait3A_292] : memref<8192x1024xf32, #tpu.memory_space<hbm>> -> memref<16x1024xf32, #tpu.memory_space<hbm>>
        %dma_wait3A_294 = tpu.memref_slice %arg11[%rem3A_281] : memref<4x!tpu.dma_semaphore, #tpu.memory_space<semaphore_mem>> -> memref<1x!tpu.dma_semaphore, #tpu.memory_space<semaphore_mem>>
        %dma_wait3A_295 = tpu.memref_squeeze %dma_wait3A_294 : memref<1x!tpu.dma_semaphore, #tpu.memory_space<semaphore_mem>> -> memref<!tpu.dma_semaphore, #tpu.memory_space<semaphore_mem>>
        %dma_wait3A_296 = arith.constant 0 : i32
        %dma_wait3A_297 = tpu.memref_slice %arg5[%add3A_287, %dma_wait3A_296] : memref<8192x1024xf32, #tpu.memory_space<hbm>> -> memref<16x1024xf32, #tpu.memory_space<hbm>>
        %dma_wait3A_298 = arith.constant 0 : i32
        %dma_wait3A_299 = arith.constant 0 : i32
        %dma_wait3A_300 = tpu.memref_slice %arg7[%rem3A_281, %dma_wait3A_298, %dma_wait3A_299] : memref<4x16x1024xf32, #tpu.memory_space<vmem>> -> memref<1x16x1024xf32, #tpu.memory_space<vmem>>
        %dma_wait3A_301 = tpu.memref_squeeze %dma_wait3A_300 : memref<1x16x1024xf32, #tpu.memory_space<vmem>> -> memref<16x1024xf32, #tpu.memory_space<vmem>>
        tpu.wait_dma2 semaphore(%dma_wait3A_295 : memref<!tpu.dma_semaphore, #tpu.memory_space<semaphore_mem>>) src(%dma_wait3A_301 : memref<16x1024xf32, #tpu.memory_space<vmem>>) dst(%dma_wait3A_297 : memref<16x1024xf32, #tpu.memory_space<hbm>>)
      } else {
      }
      %add3A_241 = arith.constant 2 : i32
      %add3A_242 = arith.addi %add3A_215, %add3A_241 : i32
      %lt3A = arith.constant 16 : i32
      %lt3A_243 = arith.cmpi slt, %add3A_242, %lt3A : i32
      %convert_element_type3A_244 = arith.extui %lt3A_243 : i1 to i32
      %cond3A_245 = arith.constant 0 : i32
      %cond3A_246 = arith.cmpi ne, %convert_element_type3A_244, %cond3A_245 : i32
      scf.if %cond3A_246 {
        %add3A_275 = arith.constant 2 : i32
        %add3A_276 = arith.addi %add3A_215, %add3A_275 : i32
        %div3A_277 = arith.constant 4 : i32
        %div3A_278 = arith.divsi %add3A_276, %div3A_277 : i32
        %rem3A_279 = arith.constant 4 : i32
        %rem3A_280 = arith.remsi %add3A_276, %rem3A_279 : i32
        %rem3A_281 = arith.constant 4 : i32
        %rem3A_282 = arith.remsi %add3A_276, %rem3A_281 : i32
        %mul3A_283 = arith.constant 16 : i32
        %mul3A_284 = arith.muli %div3A_278, %mul3A_283 : i32
        %dma_start3A_285 = arith.constant 0 : i32
        %dma_start3A_286 = arith.constant 0 : i32
        %dma_start3A_287 = tpu.memref_slice %arg7[%rem3A_282, %dma_start3A_285, %dma_start3A_286] : memref<4x16x1024xf32, #tpu.memory_space<vmem>> -> memref<1x16x1024xf32, #tpu.memory_space<vmem>>
        %dma_start3A_288 = tpu.memref_squeeze %dma_start3A_287 : memref<1x16x1024xf32, #tpu.memory_space<vmem>> -> memref<16x1024xf32, #tpu.memory_space<vmem>>
        %dma_start3A_289 = tpu.memref_slice %arg6[%rem3A_280, %mul3A_284] : memref<4x64xi32, #tpu.memory_space<vmem>> -> memref<1x16xi32, #tpu.memory_space<vmem>>
        %dma_start3A_290 = tpu.memref_squeeze %dma_start3A_289 : memref<1x16xi32, #tpu.memory_space<vmem>> -> memref<16xi32, #tpu.memory_space<vmem>>
        %dma_start3A_291 = arith.constant 0 : i32
        %dma_start3A_292 = arith.constant 0 : i32
        %dma_start3A_293 = tpu.memref_slice %arg3[%dma_start3A_291, %dma_start3A_292] : memref<50257x1024xf32, #tpu.memory_space<hbm>> -> memref<50257x1024xf32, #tpu.memory_space<hbm>>
        %dma_start3A_294 = tpu.memref_slice %arg9[%rem3A_282] : memref<4x!tpu.dma_semaphore, #tpu.memory_space<semaphore_mem>> -> memref<1x!tpu.dma_semaphore, #tpu.memory_space<semaphore_mem>>
        %dma_start3A_295 = tpu.memref_squeeze %dma_start3A_294 : memref<1x!tpu.dma_semaphore, #tpu.memory_space<semaphore_mem>> -> memref<!tpu.dma_semaphore, #tpu.memory_space<semaphore_mem>>
        tpu.enqueue_indirect_dma source(%dma_start3A_293 : memref<50257x1024xf32, #tpu.memory_space<hbm>>) target(%dma_start3A_288 : memref<16x1024xf32, #tpu.memory_space<vmem>>) offsets(%dma_start3A_290 : memref<16xi32, #tpu.memory_space<vmem>>) semaphore(%dma_start3A_295 : memref<!tpu.dma_semaphore, #tpu.memory_space<semaphore_mem>>)
      } else {
      }
      %parallel_loop3A = arith.constant 0 : i32
      %parallel_loop3A_247 = arith.constant 1024 : i32
      %parallel_loop3A_248 = arith.constant 1 : i32
      scf.for %parallel_loop3A_275 = %parallel_loop3A to %parallel_loop3A_247 step %parallel_loop3A_248  : i32 {
        %parallel_loop3A_276 = arith.constant 6 : i32
        %parallel_loop3A_277 = arith.shrui %parallel_loop3A_275, %parallel_loop3A_276 : i32
        %parallel_loop3A_278 = arith.constant 63 : i32
        %parallel_loop3A_279 = arith.andi %parallel_loop3A_275, %parallel_loop3A_278 : i32
        %parallel_loop3A_280 = arith.constant 4 : i32
        %parallel_loop3A_281 = arith.shli %parallel_loop3A_279, %parallel_loop3A_280 : i32
        %parallel_loop3A_282 = tpu.assume_multiple %parallel_loop3A_281, 16 : i32
        %parallel_loop3A_283 = arith.index_cast %rem3A_221 : i32 to index
        %parallel_loop3A_284 = arith.index_cast %parallel_loop3A_277 : i32 to index
        %parallel_loop3A_285 = arith.index_cast %parallel_loop3A_282 : i32 to index
        %parallel_loop3A_286 = tpu.vector_load %arg8[%parallel_loop3A_283, %parallel_loop3A_284, %parallel_loop3A_285] {strides = array<i32>} : memref<2x16x1024xf32, #tpu.memory_space<vmem>>, vector<1x1x16xf32>,
        %parallel_loop3A_287 = vector.shape_cast %parallel_loop3A_286 : vector<1x1x16xf32> to vector<16xf32>
        %parallel_loop3A_288 = arith.index_cast %rem3A_219 : i32 to index
        %parallel_loop3A_289 = arith.index_cast %parallel_loop3A_277 : i32 to index
        %parallel_loop3A_290 = arith.index_cast %parallel_loop3A_282 : i32 to index
        %parallel_loop3A_291 = tpu.vector_load %arg7[%parallel_loop3A_288, %parallel_loop3A_289, %parallel_loop3A_290] {strides = array<i32>} : memref<4x16x1024xf32, #tpu.memory_space<vmem>>, vector<1x1x16xf32>,
        %parallel_loop3A_292 = vector.shape_cast %parallel_loop3A_291 : vector<1x1x16xf32> to vector<16xf32>
        %parallel_loop3A_293 = vector.shape_cast %parallel_loop3A_287 : vector<16xf32> to vector<1x1x16xf32>
        tpu.vector_store %arg7[%parallel_loop3A_288, %parallel_loop3A_289, %parallel_loop3A_290], %parallel_loop3A_293 {add = true, strides = array<i32>} : memref<4x16x1024xf32, #tpu.memory_space<vmem>>, vector<1x1x16xf32>,
      } {sc.loop_unroll_factor = 8 : i64, sc.parallel_access}
      %div3A_249 = arith.constant 4 : i32
      %div3A_250 = arith.divsi %add3A_215, %div3A_249 : i32
      %rem3A_251 = arith.constant 4 : i32
      %rem3A_252 = arith.remsi %add3A_215, %rem3A_251 : i32
      %rem3A_253 = arith.constant 4 : i32
      %rem3A_254 = arith.remsi %add3A_215, %rem3A_253 : i32
      %mul3A_255 = arith.constant 2048 : i32
      %mul3A_256 = arith.muli %rem3A_252, %mul3A_255 : i32
      %add3A_257 = arith.addi %mul3A_256, %mul3A_2 : i32
      %mul3A_258 = arith.constant 16 : i32
      %mul3A_259 = arith.muli %div3A_250, %mul3A_258 : i32
      %add3A_260 = arith.addi %add3A_257, %mul3A_259 : i32
      %dma_start3A_261 = arith.constant 0 : i32
      %dma_start3A_262 = arith.constant 0 : i32
      %dma_start3A_263 = tpu.memref_slice %arg7[%rem3A_254, %dma_start3A_261, %dma_start3A_262] : memref<4x16x1024xf32, #tpu.memory_space<vmem>> -> memref<1x16x1024xf32, #tpu.memory_space<vmem>>
      %dma_start3A_264 = tpu.memref_squeeze %dma_start3A_263 : memref<1x16x1024xf32, #tpu.memory_space<vmem>> -> memref<16x1024xf32, #tpu.memory_space<vmem>>
      %dma_start3A_265 = arith.constant 0 : i32
      %dma_start3A_266 = tpu.memref_slice %arg5[%add3A_260, %dma_start3A_265] : memref<8192x1024xf32, #tpu.memory_space<hbm>> -> memref<16x1024xf32, #tpu.memory_space<hbm>>
      %dma_start3A_267 = tpu.memref_slice %arg11[%rem3A_254] : memref<4x!tpu.dma_semaphore, #tpu.memory_space<semaphore_mem>> -> memref<1x!tpu.dma_semaphore, #tpu.memory_space<semaphore_mem>>
      %dma_start3A_268 = tpu.memref_squeeze %dma_start3A_267 : memref<1x!tpu.dma_semaphore, #tpu.memory_space<semaphore_mem>> -> memref<!tpu.dma_semaphore, #tpu.memory_space<semaphore_mem>>
      %dma_start3A_269 = arith.constant 0 : i32
      %dma_start3A_270 = tpu.memref_slice %arg5[%add3A_260, %dma_start3A_269] : memref<8192x1024xf32, #tpu.memory_space<hbm>> -> memref<16x1024xf32, #tpu.memory_space<hbm>>
      %dma_start3A_271 = arith.constant 0 : i32
      %dma_start3A_272 = arith.constant 0 : i32
      %dma_start3A_273 = tpu.memref_slice %arg7[%rem3A_254, %dma_start3A_271, %dma_start3A_272] : memref<4x16x1024xf32, #tpu.memory_space<vmem>> -> memref<1x16x1024xf32, #tpu.memory_space<vmem>>
      %dma_start3A_274 = tpu.memref_squeeze %dma_start3A_273 : memref<1x16x1024xf32, #tpu.memory_space<vmem>> -> memref<16x1024xf32, #tpu.memory_space<vmem>>
      tpu.enqueue_dma source(%dma_start3A_274 : memref<16x1024xf32, #tpu.memory_space<vmem>>) target(%dma_start3A_270 : memref<16x1024xf32, #tpu.memory_space<hbm>>) target_semaphore(%dma_start3A_268 : memref<!tpu.dma_semaphore, #tpu.memory_space<semaphore_mem>>)
    }
    %scan3A_170 = arith.constant 16 : i32
    %add3A_171 = arith.constant 4096 : i32
    %add3A_172 = arith.addi %add3A_171, %mul3A_2 : i32
    %add3A_173 = arith.constant 48 : i32
    %add3A_174 = arith.addi %add3A_172, %add3A_173 : i32
    %dma_wait3A_175 = arith.constant 2 : i32
    %dma_wait3A_176 = arith.constant 2 : i32
    %dma_wait3A_177 = arith.constant 0 : i32
    %dma_wait3A_178 = arith.constant 0 : i32
    %dma_wait3A_179 = tpu.memref_slice %arg7[%dma_wait3A_175, %dma_wait3A_177, %dma_wait3A_178] : memref<4x16x1024xf32, #tpu.memory_space<vmem>> -> memref<1x16x1024xf32, #tpu.memory_space<vmem>>
    %dma_wait3A_180 = tpu.memref_squeeze %dma_wait3A_179 : memref<1x16x1024xf32, #tpu.memory_space<vmem>> -> memref<16x1024xf32, #tpu.memory_space<vmem>>
    %dma_wait3A_181 = arith.constant 0 : i32
    %dma_wait3A_182 = tpu.memref_slice %arg5[%add3A_174, %dma_wait3A_181] : memref<8192x1024xf32, #tpu.memory_space<hbm>> -> memref<16x1024xf32, #tpu.memory_space<hbm>>
    %dma_wait3A_183 = tpu.memref_slice %arg11[%dma_wait3A_176] : memref<4x!tpu.dma_semaphore, #tpu.memory_space<semaphore_mem>> -> memref<1x!tpu.dma_semaphore, #tpu.memory_space<semaphore_mem>>
    %dma_wait3A_184 = tpu.memref_squeeze %dma_wait3A_183 : memref<1x!tpu.dma_semaphore, #tpu.memory_space<semaphore_mem>> -> memref<!tpu.dma_semaphore, #tpu.memory_space<semaphore_mem>>
    %dma_wait3A_185 = arith.constant 0 : i32
    %dma_wait3A_186 = tpu.memref_slice %arg5[%add3A_174, %dma_wait3A_185] : memref<8192x1024xf32, #tpu.memory_space<hbm>> -> memref<16x1024xf32, #tpu.memory_space<hbm>>
    %dma_wait3A_187 = arith.constant 0 : i32
    %dma_wait3A_188 = arith.constant 0 : i32
    %dma_wait3A_189 = tpu.memref_slice %arg7[%dma_wait3A_175, %dma_wait3A_187, %dma_wait3A_188] : memref<4x16x1024xf32, #tpu.memory_space<vmem>> -> memref<1x16x1024xf32, #tpu.memory_space<vmem>>
    %dma_wait3A_190 = tpu.memref_squeeze %dma_wait3A_189 : memref<1x16x1024xf32, #tpu.memory_space<vmem>> -> memref<16x1024xf32, #tpu.memory_space<vmem>>
    tpu.wait_dma2 semaphore(%dma_wait3A_184 : memref<!tpu.dma_semaphore, #tpu.memory_space<semaphore_mem>>) src(%dma_wait3A_190 : memref<16x1024xf32, #tpu.memory_space<vmem>>) dst(%dma_wait3A_186 : memref<16x1024xf32, #tpu.memory_space<hbm>>)
    %add3A_191 = arith.constant 6144 : i32
    %add3A_192 = arith.addi %add3A_191, %mul3A_2 : i32
    %add3A_193 = arith.constant 48 : i32
    %add3A_194 = arith.addi %add3A_192, %add3A_193 : i32
    %dma_wait3A_195 = arith.constant 3 : i32
    %dma_wait3A_196 = arith.constant 3 : i32
    %dma_wait3A_197 = arith.constant 0 : i32
    %dma_wait3A_198 = arith.constant 0 : i32
    %dma_wait3A_199 = tpu.memref_slice %arg7[%dma_wait3A_195, %dma_wait3A_197, %dma_wait3A_198] : memref<4x16x1024xf32, #tpu.memory_space<vmem>> -> memref<1x16x1024xf32, #tpu.memory_space<vmem>>
    %dma_wait3A_200 = tpu.memref_squeeze %dma_wait3A_199 : memref<1x16x1024xf32, #tpu.memory_space<vmem>> -> memref<16x1024xf32, #tpu.memory_space<vmem>>
    %dma_wait3A_201 = arith.constant 0 : i32
    %dma_wait3A_202 = tpu.memref_slice %arg5[%add3A_194, %dma_wait3A_201] : memref<8192x1024xf32, #tpu.memory_space<hbm>> -> memref<16x1024xf32, #tpu.memory_space<hbm>>
    %dma_wait3A_203 = tpu.memref_slice %arg11[%dma_wait3A_196] : memref<4x!tpu.dma_semaphore, #tpu.memory_space<semaphore_mem>> -> memref<1x!tpu.dma_semaphore, #tpu.memory_space<semaphore_mem>>
    %dma_wait3A_204 = tpu.memref_squeeze %dma_wait3A_203 : memref<1x!tpu.dma_semaphore, #tpu.memory_space<semaphore_mem>> -> memref<!tpu.dma_semaphore, #tpu.memory_space<semaphore_mem>>
    %dma_wait3A_205 = arith.constant 0 : i32
    %dma_wait3A_206 = tpu.memref_slice %arg5[%add3A_194, %dma_wait3A_205] : memref<8192x1024xf32, #tpu.memory_space<hbm>> -> memref<16x1024xf32, #tpu.memory_space<hbm>>
    %dma_wait3A_207 = arith.constant 0 : i32
    %dma_wait3A_208 = arith.constant 0 : i32
    %dma_wait3A_209 = tpu.memref_slice %arg7[%dma_wait3A_195, %dma_wait3A_207, %dma_wait3A_208] : memref<4x16x1024xf32, #tpu.memory_space<vmem>> -> memref<1x16x1024xf32, #tpu.memory_space<vmem>>
    %dma_wait3A_210 = tpu.memref_squeeze %dma_wait3A_209 : memref<1x16x1024xf32, #tpu.memory_space<vmem>> -> memref<16x1024xf32, #tpu.memory_space<vmem>>
    tpu.wait_dma2 semaphore(%dma_wait3A_204 : memref<!tpu.dma_semaphore, #tpu.memory_space<semaphore_mem>>) src(%dma_wait3A_210 : memref<16x1024xf32, #tpu.memory_space<vmem>>) dst(%dma_wait3A_206 : memref<16x1024xf32, #tpu.memory_space<hbm>>)
    return
  }
}

</mosaic_0001>

<sc_bundles>
// kernel: kernel.3.cloned.1.call-start
scs
__scs_entry_jumppad:
0x0: {  	(pc) =	sbr.rel $0x88, $3  }
0x1: {  	(tag) =	ssettag $0x0;
	lr =	simm.s32 $0x1  }
0x2: {  	[smem:$0x3F9E] =	sst lr;
	_ =	strace $0xD0000000  }
0x3: {  	_ = 	snop  }
0x4: {  	_ = 	snop  }
0x5: {  	_ = 	snop  }
0x6: {  	_ = 	snop  }
0x7: {  	_ = 	snop  }
__scs_overlays_trampoline_lowered:
0x8: {  	[smem:$0x3FAD] =	sst s0  }
0x9: {  	[smem:$0x3FAE] =	sst s1  }
0xa: {  	[smem:$0x3FAF] =	sst s2  }
0xb: {  	[smem:$0x3FB0] =	sst s3  }
0xc: {  	[smem:$0x3FB1] =	sst s4  }
0xd: {  	[smem:$0x3FB2] =	sst s5  }
0xe: {  	[smem:$0x3FB3] =	sst s6  }
0xf: {  	[smem:$0x3FB4] =	sst s7  }
0x10: {  	[smem:$0x3FB5] =	sst s8  }
0x11: {  	[smem:$0x3FB6] =	sst s9;
	s0 =	simm.s32 @!p0 $0x0  }
0x12: {  	s1 =	sld [smem:$0x3F9C];
	s0 =	simm.s32 @p0 $0x1  }
0x13: {  	[smem:$0x3FB7] =	sst s0;
	s0 =	simm.s32 @!p1 $0x0  }
0x14: {  	s2 =	sld [smem:$0x3F9B];
	s0 =	simm.s32 @p1 $0x1  }
0x15: {  	[smem:$0x3FB8] =	sst s0;
	s0 =	simm.s32 @!p2 $0x0  }
0x16: {  	s3 =	sld [smem:$0x3FDB];
	s0 =	simm.s32 @p2 $0x1  }
0x17: {  	s4 =	simm.s32 $0x1BF5;
	[smem:$0x3FBA] =	sst s0  }
0x18: {  	s0 =	sld [smem:$0x3F9D];
	_ =	swait.ge [sflag:s4], $0x0  }
0x19: {  	s7 =	sld [smem:$0x3F9E]  }
0x1a: {  	s8 =	sadd.s32 $0xFFFFE003, lr  }
0x1b: {  	s9 =	sadd.s32 $0xFFFFFEF7, lr;
	s5 =	simm.s32 $0xFFFFFFFF;
	p2 =	slt.u32 s8, $0xFFFFF086  }
0x1c: {  	p1 =	slt.u32 s9, $0xF7A;
	s5 =	simm.s32 @!p2 $0x0  }
0x1d: {  	s5 =	simm.s32 @p1 $0x1;
	p0 =	seq.s32 s7, s2  }
0x1e: {  	s7 =	smul.u32 @!p0 $0xF7A, s2;
	p2 =	seq.s32 @!p0 s5, $0x0  }
0x1f: {  	s9 =	smul.u32 $0xF7A, s1;
	s8 =	simm.s32 @!p0 $0x1BF5;
	p2 =	por !p2, p0  }
0x20: {  	[sflag:s8] =	ssyncset.s32 @!p0 $0xFFFFF086;
	s6 =	sadd.s32 @!p0 s3, s7;
	s7 =	simm.s32 @!p0 $0x108  }
0x21: {  	s3 =	sadd.s32 s3, s9;
	s6 =	sadd.s32 @!p0 $0x88, s6;
	s7 =	simm.s32 @p2 $0x1082  }
0x22: {  	[simem:s7], [sflag:s8] =	dma.local @!p0 [hbm:s6], $0xF7A  }
0x23: {  	s9 =	sor.u32 $0xD0000000, s2;
	s6 =	simm.s32 $0x108;
	_ =	swait.ge @!p0 [sflag:s8], $0x0  }
0x24: {  	s3 =	sadd.s32 $0x88, s3;
	s6 =	simm.s32 @!p1 $0x1082;
	[sflag:s4] =	ssyncset.s32 $0xFFFFF086  }
0x25: {  	[simem:s6], [sflag:s4] =	dma.local [hbm:s3], $0xF7A  }
0x26: {  	[smem:$0x3F9E] =	sst s1;
	(tag) =	ssettag s2;
	_ =	strace s9  }
0x27: {  	s1 =	sld [smem:$0x3FAE]  }
0x28: {  	s2 =	sld [smem:$0x3FAF]  }
0x29: {  	s4 =	sld [smem:$0x3FB1]  }
0x2a: {  	p0 =	seq.s32 s5, $0x0;
	s5 =	sld [smem:$0x3FB2]  }
0x2b: {  	s6 =	sld [smem:$0x3FB3]  }
0x2c: {  	s7 =	sld [smem:$0x3FB4]  }
0x2d: {  	s3 =	simm.s32 $0x108;
	s8 =	sld [smem:$0x3FB5]  }
0x2e: {  	s3 =	simm.s32 @!p0 $0x1082;
	s9 =	sld [smem:$0x3FB6]  }
0x2f: {  	lr =	sadd.s32 s0, s3;
	s0 =	sld [smem:$0x3FAD]  }
0x30: {  	s3 =	sld [smem:$0x3FB0]  }
0x31: {  	[smem:$0x3FB9] =	sst s10  }
0x32: {  	s10 =	sld [smem:$0x3FB7];
	_ =	sdelay $0x3  }
0x33: {  	p0 =	seq.s32 s10, $0x1;
	s10 =	sld [smem:$0x3FB9];
	_ =	sdelay $0x3  }
0x34: {  	[smem:$0x3FB9] =	sst s10  }
0x35: {  	s10 =	sld [smem:$0x3FB8];
	_ =	sdelay $0x3  }
0x36: {  	p1 =	seq.s32 s10, $0x1;
	s10 =	sld [smem:$0x3FB9];
	_ =	sdelay $0x3  }
0x37: {  	[smem:$0x3FB9] =	sst s10  }
0x38: {  	s10 =	sld [smem:$0x3FBA]  }
0x39: {  	_ = 	snop;
	(pc) =	sbr.ind lr, $3  }
0x3a: {  	_ = 	snop  }
0x3b: {  	_ = 	snop  }
0x3c: {  	p2 =	seq.s32 s10, $0x1;
	s10 =	sld [smem:$0x3FB9]  }
0x3d: {  	_ =	shalt  }
0x3e: {  	_ =	shalt  }
0x3f: {  	_ =	shalt  }
0x40: {  	_ =	shalt  }
0x41: {  	_ =	shalt  }
0x42: {  	_ =	shalt  }
0x43: {  	_ =	shalt  }
0x44: {  	_ =	shalt  }
0x45: {  	_ =	shalt  }
0x46: {  	_ =	shalt  }
0x47: {  	_ =	shalt  }
0x48: {  	_ =	shalt  }
0x49: {  	_ =	shalt  }
0x4a: {  	_ =	shalt  }
0x4b: {  	_ =	shalt  }
0x4c: {  	_ =	shalt  }
0x4d: {  	_ =	shalt  }
0x4e: {  	_ =	shalt  }
0x4f: {  	_ =	shalt  }
0x50: {  	_ =	shalt  }
0x51: {  	_ =	shalt  }
0x52: {  	_ =	shalt  }
0x53: {  	_ =	shalt  }
0x54: {  	_ =	shalt  }
0x55: {  	_ =	shalt  }
0x56: {  	_ =	shalt  }
0x57: {  	_ =	shalt  }
0x58: {  	_ =	shalt  }
0x59: {  	_ =	shalt  }
0x5a: {  	_ =	shalt  }
0x5b: {  	_ =	shalt  }
0x5c: {  	_ =	shalt  }
0x5d: {  	_ =	shalt  }
0x5e: {  	_ =	shalt  }
0x5f: {  	_ =	shalt  }
0x60: {  	_ =	shalt  }
0x61: {  	_ =	shalt  }
0x62: {  	_ =	shalt  }
0x63: {  	_ =	shalt  }
0x64: {  	_ =	shalt  }
0x65: {  	_ =	shalt  }
0x66: {  	_ =	shalt  }
0x67: {  	_ =	shalt  }
0x68: {  	_ =	shalt  }
0x69: {  	_ =	shalt  }
0x6a: {  	_ =	shalt  }
0x6b: {  	_ =	shalt  }
0x6c: {  	_ =	shalt  }
0x6d: {  	_ =	shalt  }
0x6e: {  	_ =	shalt  }
0x6f: {  	_ =	shalt  }
0x70: {  	_ =	shalt  }
0x71: {  	_ =	shalt  }
0x72: {  	_ =	shalt  }
0x73: {  	_ =	shalt  }
0x74: {  	_ =	shalt  }
0x75: {  	_ =	shalt  }
0x76: {  	_ =	shalt  }
0x77: {  	_ =	shalt  }
0x78: {  	_ =	shalt  }
0x79: {  	_ =	shalt  }
0x7a: {  	_ =	shalt  }
0x7b: {  	_ =	shalt  }
0x7c: {  	_ =	shalt  }
0x7d: {  	_ =	shalt  }
0x7e: {  	_ =	shalt  }
0x7f: {  	_ =	shalt  }
0x80: {  	_ =	shalt  }
0x81: {  	_ =	shalt  }
0x82: {  	_ =	shalt  }
0x83: {  	_ =	shalt  }
0x84: {  	_ =	shalt  }
0x85: {  	_ =	shalt  }
0x86: {  	_ =	shalt  }
0x87: {  	_ =	shalt  }
.Lfunc_end0:
.L_simem_size_0:
called_computation_lowered:
.L_overlay_start_0:
0x88: {  	s2 =	sld [smem:$0x3FD9]  }
0x89: {  	s3 =	sld [smem:$0x3FFE];
	_ =	sdelay $0x1  }
0x8a: {  	s1 =	srdreg.scid  }
0x8b: {  	s0 =	sand.u32 $0x1, s1  }
0x8c: {  	s18 =	sshll.u32 s0, $0xA;
	s2 =	sadd.s32 s3, s2  }
0x8d: {  	s2 =	sadd.s32 s2, s18  }
0x8e: {  	[smem:$0x3FC5] =	sst s2  }
0x8f: {  	_ = 	snop  }
0x90: {  	s2 =	sld [smem:$0x3FC9]  }
0x91: {  	s19 =	sld [smem:$0x3FC8]  }
0x92: {  	s4 =	sld [smem:$0x3FC7]  }
0x93: {  	s5 =	sld [smem:$0x3FD0];
	(tm) =	ssettm $0x1  }
0x94: {  	s6 =	sld [smem:$0x3FFB];
	_ =	sdelay $0x3  }
0x95: {  	_ =	strace s6  }
0x96: {  	s6 =	sld [smem:$0x3FFC];
	_ =	sdelay $0x3  }
0x97: {  	_ =	strace s6  }
0x98: {  	s6 =	sld [smem:$0x3FFD];
	_ =	sdelay $0x3  }
0x99: {  	_ =	strace s6  }
0x9a: {  	_ =	strace $0x8FFFFFFF  }
0x9b: {  	s20 =	sld [smem:$0x3FDB];
	_ =	sdelay $0x1  }
0x9c: {  	s7 =	simm.s32 $_scs_section_size  }
0x9d: {  	s8 =	simm.s32 $_size__tile_overlayer_lowered;
	s9 =	simm.s32 $_tile_overlayer_lowered  }
0x9e: {  	s23 =	simm.s32 $0x1BFF;
	s22 =	sshll.u32 s9, $0x1;
	s6 =	sadd.s32 s7, s20  }
0x9f: {  	s10 =	simm.s32 $0x0;
	s21 =	sshll.u32 s8, $0x1;
	s8 =	sadd.s32 s22, s6  }
0xa0: {  	[timem:s10], [sflag:s23] =	dma.local [hbm:s8], s21  }
0xa1: {  	_ =	swait.ge [sflag:s23], s21  }
0xa2: {  	s7 =	ssub.s32 $0x0, s21;
	[sflag:s23] =	ssyncset.done $0x0  }
0xa3: {  	[sflag:s23] =	ssyncadd.s32 s7;
	_ =	sdelay $0x1  }
0xa4: {  	s24 =	simm.s32 $0x1B8B  }
0xa5: {  	_ =	swait.ge [sflag:s24], $0x1  }
0xa6: {  	[sflag:s24] =	ssyncset.done $0x0  }
0xa7: {  	s25 =	simm.s32 $0x1B8E;
	[sflag:s24] =	ssyncadd.s32 $0xFFFFFFFF  }
0xa8: {  	s26 =	simm.s32 $execute0_lowered;
	[smem:$0x3FD2] =	sst s25  }
0xa9: {  	s7 =	sshll.u32 s26, $0x1;
	_ =	strace $0x80000046;
	[dreg:$0x1] =	wrdreg $0xFFFFFFFF  }
0xaa: {  	s28 =	simm.s32 $_size_execute0_lowered;
	s6 =	sadd.s32 s6, s7;
	[dreg:$0x0] =	wrdreg $0x0  }
0xab: {  	s7 =	sshll.u32 s28, $0x1;
	[dreg:$0x2] =	wrdreg s6  }
0xac: {  	[dreg:$0x3] =	wrdreg s7  }
0xad: {  	[dreg:$0x4] =	wrdreg $0xC0  }
0xae: {  	_ =	task [dreg:s10], $0x5FFFF  }
0xaf: {  	[dreg:$0x1] =	wrdreg $0xFFFFFFFF  }
0xb0: {  	[dreg:$0x0] =	wrdreg $0x60  }
0xb1: {  	[dreg:$0x2] =	wrdreg s2  }
0xb2: {  	[dreg:$0x3] =	wrdreg s19  }
0xb3: {  	[dreg:$0x4] =	wrdreg s4  }
0xb4: {  	[dreg:$0x5] =	wrdreg s5  }
0xb5: {  	[dreg:$0x6] =	wrdreg $0x9  }
0xb6: {  	_ =	task.clear_ibuf [dreg:s10], $0x7FFFF;
	_ =	strace $0x90000046  }
0xb7: {  	s29 =	simm.s32 $0x9;
	_ =	strace $0x80000048  }
0xb8: {  	_ =	swait.ge [sflag:s29], $0x1  }
0xb9: {  	[sflag:s29] =	ssyncadd.s32 $0xFFFFFFFF  }
0xba: {  	_ =	strace $0x90000048  }
0xbb: {  	_ =	sfence  }
0xbc: {  	s30 =	sld [smem:$0x0];
	_ =	sdelay $0x2  }
0xbd: {  	s31 =	sshll.u32 s1, $0xD;
	s1 =	sshrl.u32 s1, $0x2  }
0xbe: {  	s3 =	sand.u32 $0x4000, s31;
	s1 =	sadd.s32 s1, s30  }
0xbf: {  	s0 =	sor.u32 s3, s0;
	s1 =	sshll.u32 s1, $0x11  }
0xc0: {  	s0 =	sor.u32 s1, s0  }
0xc1: {  	s0 =	sadd.s32 $0x8F2B, s0  }
0xc2: {  	[sflag:s0] =	ssyncadd.remote.s32 $0x1  }
0xc3: {  	_ =	sfence.sel $0xFFFF  }
0xc4: {  	[dreg:$0x0] =	wrdreg $0xFFFFFFFF;
	(pc) =	sbr.abs _section_cstart, $3  }
0xc5: {  	[dreg:$0x1] =	wrdreg $0xFFFFFFFF  }
0xc6: {  	_ =	task.clear_ibuf [dreg:s10], $0x2FFFF;
	_ =	strace $0x9FFFFFFF  }
0xc7: {  	(tm) =	ssettm $0x7FFFFFFF  }
tec
execute0_lowered:
.L_overlay_start_1:
0x0: {  	(tag) =	ssettag $0x1  }
0x1: {  	s0 =	rddreg [dreg:$0x0]  }
0x2: {  	s2 =	rddreg [dreg:$0x1]  }
0x3: {  	s1 =	rddreg [dreg:$0x2];
	s3 =	srdreg.scid  }
0x4: {  	s12 =	rddreg [dreg:$0x3];
	s5 =	stileid.u32;
	s19 =	simm.s32 $0x6  }
0x5: {  	s18 =	simm.s32 $0x9;
	s20 =	simm.s32 $0xA;
	s21 =	simm.s32 $0x0  }
0x6: {  	s4 =	sand.u32 $0x1, s3;
	s5 =	sshll.u32 s5, $0x7;
	s3 =	simm.s32 $0x0  }
0x7: {  	s9 =	sadd.s32 $0x100, s2;
	s10 =	sadd.s32 $0x200, s2;
	s11 =	sadd.s32 $0x300, s2  }
0x8: {  	s6 =	sshll.u32 s4, $0x6;
	s4 =	ssub.s32 $0x2, s4;
	[smem:$0x7FF] =	sst s3  }
0x9: {  	s5 =	sor.u32 s6, s5;
	s7 =	sshrl.u32 s4, $0x1;
	_ =	strace $0x80000047  }
0xa: {  	s8 =	sshll.u32 s5, $0x2;
	s13 =	ssub.s32 s4, s7;
	s14 =	sshll.u32 s5, $0x7  }
0xb: {  	s26 =	sand.u32 $0x1E00, s8;
	s4 =	sadd.s32 s1, s14;
	s12 =	sadd.s32 s12, s14  }
0xc: {  	s13 =	smax.u32 s13, $0x1;
	s28 =	sor.u32 s6, s26;
	s6 =	sor.u32 s6, s8  }
0xd: {  	v2 =	vlaneseq.u32;
	s14 =	sadd.s32 $0x800, s4;
	s29 =	sshrl.u32 s28, $0x3;
	s6 =	sshrl.u32 s6, $0x3  }
0xe: {  	vm0 =	vmmov $0xffff;
	v1 =	vshrl.u32 v2, $0x3;
	s5 =	sadd.s32 s0, s29;
	s30 =	sor.u32 $0x20, s6;
	s31 =	sor.u32 $0x30, s6  }
0xf: {  	v0 =	vand.u32 $0x7, v2;
	v2 =	vor.u32 $0x8, v2;
	v1 =	vmul.u32 $0x8, v1;
	s6 =	sadd.s32 $0x10, s5;
	s7 =	sadd.s32 s0, s30;
	s8 =	sadd.s32 s0, s31  }
.LBB2_1:
0x10: {  	s0 =	simm.s32 $0x10200  }
0x11: {  	[tilespmem:s0], [sflag:$0x5] =	stream.linear.gather [hbm4b:s4+s3], $0x4000, $0x38;
	[tilespmem:$0x18200] =	vst v63  }
0x12: {  	_ = 	snop  }
0x13: {  	[tilespmem:s3], [sflag:$0x6] =	stream.linear.gather [hbm4b:s5+s3], $0x40, $0x38;
	[tilespmem:$0x18200] =	vst v63  }
0x14: {  	s25 =	simm.s32 $0x80  }
0x15: {  	[tilespmem:s25], [sflag:$0x6] =	stream.linear.gather [hbm4b:s6+s3], $0x40, $0x38;
	[tilespmem:$0x18200] =	vst v63  }
0x16: {  	s26 =	simm.s32 $0x100  }
0x17: {  	[tilespmem:s26], [sflag:$0x6] =	stream.linear.gather [hbm4b:s7+s3], $0x40, $0x38;
	[tilespmem:$0x18200] =	vst v63  }
0x18: {  	s28 =	simm.s32 $0x180  }
0x19: {  	[tilespmem:s28], [sflag:$0x6] =	stream.linear.gather [hbm4b:s8+s3], $0x40, $0x38;
	[tilespmem:$0x18200] =	vst v63  }
0x1a: {  	_ =	swait.ge [sflag:s19], $0x40  }
0x1b: {  	[sflag:s19] =	ssyncset.done $0x0  }
0x1c: {  	[sflag:s19] =	ssyncadd.s32 $0xFFFFFFC0  }
0x1d: {  	_ =	swait.ge [sflag:s19], $0x40  }
0x1e: {  	[sflag:s19] =	ssyncset.done $0x0  }
0x1f: {  	[sflag:s19] =	ssyncadd.s32 $0xFFFFFFC0  }
0x20: {  	_ =	swait.ge [sflag:s19], $0x40  }
0x21: {  	[sflag:s19] =	ssyncset.done $0x0  }
0x22: {  	[sflag:s19] =	ssyncadd.s32 $0xFFFFFFC0  }
0x23: {  	_ =	swait.ge [sflag:s19], $0x40  }
0x24: {  	[sflag:s19] =	ssyncset.done $0x0  }
0x25: {  	[sflag:s19] =	ssyncadd.s32 $0xFFFFFFC0  }
0x26: {  	v3 =	vld [tilespmem:$0x0];
	_ =	sdelay $0x4  }
0x27: {  	v4 =	vshll.u32 v3, $0x3  }
0x28: {  	v3 =	vand.u32 $0x7, v3;
	v4 =	vand.u32 $0xFFFFFFC0, v4  }
0x29: {  	v3 =	vor.u32 v3, v4  }
0x2a: {  	v4 =	vperm.xlane v3, v0;
	_ =	sdelay $0x1  }
0x2b: {  	v4 =	vadd.s32 v1, v4;
	_ =	sdelay $0x3  }
0x2c: {  	s29 =	simm.s32 $0x200  }
0x2d: {  	[tilespmem:s29], [sflag:$0x1] =	stream.indirect_vreg.gather [hbm4b:s2+s3], $0x80, v4, vm0, $0xb8;
	[tilespmem:$0x18200] =	vst v63  }
0x2e: {  	s30 =	simm.s32 $0xA00;
	v3 =	vperm.xlane v3, v2  }
0x2f: {  	[tilespmem:s30], [sflag:$0x1] =	stream.indirect_vreg.gather [hbm4b:s9+s3], $0x80, v4, vm0, $0xb8;
	[tilespmem:$0x18200] =	vst v63  }
0x30: {  	s31 =	simm.s32 $0x1200;
	v3 =	vadd.s32 v1, v3  }
0x31: {  	[tilespmem:s31], [sflag:$0x1] =	stream.indirect_vreg.gather [hbm4b:s10+s3], $0x80, v4, vm0, $0xb8;
	[tilespmem:$0x18200] =	vst v63  }
0x32: {  	s1 =	simm.s32 $0x1A00  }
0x33: {  	[tilespmem:s1], [sflag:$0x1] =	stream.indirect_vreg.gather [hbm4b:s11+s3], $0x80, v4, vm0, $0xb8;
	[tilespmem:$0x18200] =	vst v63  }
0x34: {  	s15 =	simm.s32 $0x2200  }
0x35: {  	[tilespmem:s15], [sflag:$0x1] =	stream.indirect_vreg.gather [hbm4b:s2+s3], $0x80, v3, vm0, $0xb8;
	[tilespmem:$0x18200] =	vst v63  }
0x36: {  	s16 =	simm.s32 $0x2A00  }
0x37: {  	[tilespmem:s16], [sflag:$0x1] =	stream.indirect_vreg.gather [hbm4b:s9+s3], $0x80, v3, vm0, $0xb8;
	[tilespmem:$0x18200] =	vst v63  }
0x38: {  	s17 =	simm.s32 $0x3200  }
0x39: {  	[tilespmem:s17], [sflag:$0x1] =	stream.indirect_vreg.gather [hbm4b:s10+s3], $0x80, v3, vm0, $0xb8;
	[tilespmem:$0x18200] =	vst v63  }
0x3a: {  	s22 =	simm.s32 $0x3A00  }
0x3b: {  	[tilespmem:s22], [sflag:$0x1] =	stream.indirect_vreg.gather [hbm4b:s11+s3], $0x80, v3, vm0, $0xb8;
	[tilespmem:$0x18200] =	vst v63  }
0x3c: {  	v3 =	vld [tilespmem:$0x80];
	_ =	sdelay $0x4  }
0x3d: {  	v63 =	vshll.u32 v3, $0x3  }
0x3e: {  	v3 =	vand.u32 $0x7, v3;
	v4 =	vand.u32 $0xFFFFFFC0, v63  }
0x3f: {  	v3 =	vor.u32 v3, v4  }
0x40: {  	v4 =	vperm.xlane v3, v0;
	_ =	sdelay $0x1  }
0x41: {  	v4 =	vadd.s32 v1, v4;
	_ =	sdelay $0x3  }
0x42: {  	s23 =	simm.s32 $0x4200  }
0x43: {  	[tilespmem:s23], [sflag:$0x2] =	stream.indirect_vreg.gather [hbm4b:s2+s3], $0x80, v4, vm0, $0xb8;
	[tilespmem:$0x18200] =	vst v63  }
0x44: {  	s24 =	simm.s32 $0x4A00;
	v3 =	vperm.xlane v3, v2  }
0x45: {  	[tilespmem:s24], [sflag:$0x2] =	stream.indirect_vreg.gather [hbm4b:s9+s3], $0x80, v4, vm0, $0xb8;
	[tilespmem:$0x18200] =	vst v63  }
0x46: {  	s25 =	simm.s32 $0x5200;
	v3 =	vadd.s32 v1, v3  }
0x47: {  	[tilespmem:s25], [sflag:$0x2] =	stream.indirect_vreg.gather [hbm4b:s10+s3], $0x80, v4, vm0, $0xb8;
	[tilespmem:$0x18200] =	vst v63  }
0x48: {  	s26 =	simm.s32 $0x5A00  }
0x49: {  	[tilespmem:s26], [sflag:$0x2] =	stream.indirect_vreg.gather [hbm4b:s11+s3], $0x80, v4, vm0, $0xb8;
	[tilespmem:$0x18200] =	vst v63  }
0x4a: {  	s28 =	simm.s32 $0x6200  }
0x4b: {  	[tilespmem:s28], [sflag:$0x2] =	stream.indirect_vreg.gather [hbm4b:s2+s3], $0x80, v3, vm0, $0xb8;
	[tilespmem:$0x18200] =	vst v63  }
0x4c: {  	s29 =	simm.s32 $0x6A00  }
0x4d: {  	[tilespmem:s29], [sflag:$0x2] =	stream.indirect_vreg.gather [hbm4b:s9+s3], $0x80, v3, vm0, $0xb8;
	[tilespmem:$0x18200] =	vst v63  }
0x4e: {  	s30 =	simm.s32 $0x7200  }
0x4f: {  	[tilespmem:s30], [sflag:$0x2] =	stream.indirect_vreg.gather [hbm4b:s10+s3], $0x80, v3, vm0, $0xb8;
	[tilespmem:$0x18200] =	vst v63  }
0x50: {  	s31 =	simm.s32 $0x7A00;
	s22 =	simm.s32 $0x0  }
0x51: {  	[tilespmem:s31], [sflag:$0x2] =	stream.indirect_vreg.gather [hbm4b:s11+s3], $0x80, v3, vm0, $0xb8;
	[tilespmem:$0x18200] =	vst v63  }
.LBB2_2:
0x52: {  	s23 =	sand.u32 $0x3, s22  }
0x53: {  	s24 =	sshrl.u32 s22, $0x2;
	p0 =	sne.s32 s23, $0x0  }
0x54: {  	s25 =	sand.u32 $0x1, s24;
	p1 =	sgt.u32 @!p0 s22, $0xB  }
0x55: {  	s0 =	sadd.s32 @!p0 $0x5, s25;
	p1 =	por p1, p0  }
0x56: {  	_ =	swait.ge @!p0 [sflag:s0], $0x4000;
	s26 =	sxor.u32 @!p1 $0x1, s25  }
0x57: {  	s17 =	sadd.s32 $0x1, s23;
	[sflag:s0] =	ssyncset.done @!p0 $0x0;
	s28 =	sshll.u32 @!p1 s26, $0xE  }
0x58: {  	[sflag:s0] =	ssyncadd.s32 @!p0 $0xFFFFC000;
	s0 =	sor.u32 @!p1 $0x10200, s28;
	s28 =	sshll.u32 @!p1 s24, $0xB  }
0x59: {  	s29 =	simm.s32 @!p1 $0x0;
	s26 =	sadd.s32 @!p1 $0x5, s26;
	s28 =	sadd.s32 @!p1 s14, s28  }
0x5a: {  	[tilespmem:s0], [sflag:s26] =	stream.linear.gather @!p1 [hbm4b:s28+s29], $0x4000, $0x38;
	[tilespmem:$0x18200] =	vst v63  }
0x5b: {  	p0 =	slt.u32 s22, $0x2;
	_ =	swait.ge [sflag:s17], $0x4000  }
0x5c: {  	s26 =	sxor.u32 @!p0 $0x2, s23;
	[sflag:s17] =	ssyncset.done $0x0  }
0x5d: {  	s0 =	sadd.s32 @!p0 $0x7, s26;
	[sflag:s17] =	ssyncadd.s32 $0xFFFFC000  }
0x5e: {  	p1 =	sgt.u32 @!p0 s22, $0xD;
	_ =	swait.ge @!p0 [sflag:s0], $0x4000  }
0x5f: {  	p1 =	por p0, !p1;
	[sflag:s0] =	ssyncset.done @!p0 $0x0  }
0x60: {  	[sflag:s0] =	ssyncadd.s32 @!p0 $0xFFFFC000;
	s0 =	sadd.s32 @p1 $0x2, s22  }
0x61: {  	s26 =	sand.u32 @p1 $0x3, s0;
	s0 =	sshll.u32 @p1 s0, $0x2  }
0x62: {  	s0 =	sand.u32 @p1 $0x70, s0;
	s28 =	sshll.u32 @p1 s26, $0x7  }
0x63: {  	s0 =	sor.u32 @p1 s0, s28  }
0x64: {  	v3 =	vld @p1 [tilespmem:s0+$0x0];
	_ =	sdelay $0x4  }
0x65: {  	v4 =	vshll.u32 @p1 v3, $0x3  }
0x66: {  	v3 =	vand.u32 @p1 $0x7, v3;
	v4 =	vand.u32 @p1 $0xFFFFFFC0, v4  }
0x67: {  	v3 =	vor.u32 @p1 v3, v4  }
0x68: {  	v4 =	vperm.xlane @p1 v3, v0;
	_ =	sdelay $0x1  }
0x69: {  	v4 =	vadd.s32 @p1 v1, v4;
	_ =	sdelay $0x2  }
0x6a: {  	s0 =	sshll.u32 @p1 s26, $0xE  }
0x6b: {  	s26 =	sadd.s32 @p1 $0x1, s26;
	s28 =	sor.u32 @p1 $0x200, s0  }
0x6c: {  	[tilespmem:s28], [sflag:s26] =	stream.indirect_vreg.gather @p1 [hbm4b:s2+s3], $0x80, v4, vm0, $0xb8;
	[tilespmem:$0x18200] =	vst v63  }
0x6d: {  	v3 =	vperm.xlane @p1 v3, v2;
	s28 =	sor.u32 @p1 $0xA00, s0  }
0x6e: {  	[tilespmem:s28], [sflag:s26] =	stream.indirect_vreg.gather @p1 [hbm4b:s9+s3], $0x80, v4, vm0, $0xb8;
	[tilespmem:$0x18200] =	vst v63  }
0x6f: {  	v3 =	vadd.s32 @p1 v1, v3;
	s28 =	sor.u32 @p1 $0x1200, s0  }
0x70: {  	[tilespmem:s28], [sflag:s26] =	stream.indirect_vreg.gather @p1 [hbm4b:s10+s3], $0x80, v4, vm0, $0xb8;
	[tilespmem:$0x18200] =	vst v63  }
0x71: {  	s28 =	sor.u32 @p1 $0x1A00, s0  }
0x72: {  	[tilespmem:s28], [sflag:s26] =	stream.indirect_vreg.gather @p1 [hbm4b:s11+s3], $0x80, v4, vm0, $0xb8;
	[tilespmem:$0x18200] =	vst v63  }
0x73: {  	s28 =	sor.u32 @p1 $0x2200, s0  }
0x74: {  	[tilespmem:s28], [sflag:s26] =	stream.indirect_vreg.gather @p1 [hbm4b:s2+s3], $0x80, v3, vm0, $0xb8;
	[tilespmem:$0x18200] =	vst v63  }
0x75: {  	s28 =	sor.u32 @p1 $0x2A00, s0  }
0x76: {  	[tilespmem:s28], [sflag:s26] =	stream.indirect_vreg.gather @p1 [hbm4b:s9+s3], $0x80, v3, vm0, $0xb8;
	[tilespmem:$0x18200] =	vst v63  }
0x77: {  	s28 =	sor.u32 @p1 $0x3200, s0  }
0x78: {  	[tilespmem:s28], [sflag:s26] =	stream.indirect_vreg.gather @p1 [hbm4b:s10+s3], $0x80, v3, vm0, $0xb8;
	[tilespmem:$0x18200] =	vst v63  }
0x79: {  	s0 =	sor.u32 @p1 $0x3A00, s0  }
0x7a: {  	[tilespmem:s0], [sflag:s26] =	stream.indirect_vreg.gather @p1 [hbm4b:s11+s3], $0x80, v3, vm0, $0xb8;
	[tilespmem:$0x18200] =	vst v63  }
0x7b: {  	s1 =	sshll.u32 s25, $0xE;
	s26 =	simm.s32 $0x0  }
0x7c: {  	s28 =	sor.u32 $0x10200, s1;
	s15 =	sand.u32 $0x2000, s26  }
0x7d: {  	s29 =	sand.u32 $0x1C00, s26;
	s16 =	sadd.s32 s15, s28  }
0x7e: {  	s30 =	sand.u32 $0x380, s26;
	s25 =	sadd.s32 s29, s16  }
0x7f: {  	s31 =	sadd.s32 s30, s25  }
0x80: {  	v3 =	vld [tilespmem:s31+$0x70]  }
0x81: {  	v7 =	vld [tilespmem:s31+$0x0]  }
0x82: {  	s17 =	sshll.u32 s23, $0xE;
	v8 =	vld [tilespmem:s31+$0x10]  }
0x83: {  	s25 =	sor.u32 $0x200, s17;
	v9 =	vld [tilespmem:s31+$0x20]  }
0x84: {  	s0 =	sadd.s32 s15, s25;
	v6 =	vld [tilespmem:s31+$0x30]  }
0x85: {  	v5 =	vld [tilespmem:s31+$0x40];
	s0 =	sadd.s32 s29, s0  }
0x86: {  	v4 =	vld [tilespmem:s31+$0x50];
	s29 =	sadd.s32 s30, s0  }
0x87: {  	[tilespmem:s29+$0x70] =	vst.add.f32.msk $0xffff, v3  }
0x88: {  	v3 =	vld [tilespmem:s31+$0x60]  }
0x89: {  	[tilespmem:s29+$0x0] =	vst.add.f32.msk $0xffff, v7  }
0x8a: {  	[tilespmem:s29+$0x10] =	vst.add.f32.msk $0xffff, v8  }
0x8b: {  	s30 =	simm.s32 $0x0;
	s0 =	simm.s32 $0x80;
	[tilespmem:s29+$0x20] =	vst.add.f32.msk $0xffff, v9;
	s31 =	simm.s32 $0x10  }
.LBB2_3:
0x8c: {  	s1 =	sand.u32 $0x2000, s0;
	s30 =	sadd.s32 $0x8, s30;
	[tilespmem:s29+$0x30] =	vst.add.f32.msk $0xffff, v6;
	s26 =	sadd.s32 $0x400, s26  }
0x8d: {  	s15 =	sand.u32 $0x1C00, s26;
	s16 =	sadd.s32 s1, s28;
	p0 =	slt.u32 s30, $0x3F8;
	[tilespmem:s29+$0x40] =	vst.add.f32.msk $0xffff, v5  }
0x8e: {  	s17 =	sand.u32 $0x380, s31;
	s16 =	sadd.s32 s15, s16;
	[tilespmem:s29+$0x50] =	vst.add.f32.msk $0xffff, v4  }
0x8f: {  	s16 =	sadd.s32 s17, s16;
	[tilespmem:s29+$0x60] =	vst.add.f32.msk $0xffff, v3  }
0x90: {  	v3 =	vld [tilespmem:s16+$0x70]  }
0x91: {  	v7 =	vld [tilespmem:s16+$0x0]  }
0x92: {  	s1 =	sadd.s32 s1, s25;
	v8 =	vld [tilespmem:s16+$0x10]  }
0x93: {  	s1 =	sadd.s32 s15, s1;
	v9 =	vld [tilespmem:s16+$0x20]  }
0x94: {  	s29 =	sadd.s32 s17, s1;
	v6 =	vld [tilespmem:s16+$0x30]  }
0x95: {  	[tilespmem:s29+$0x70] =	vst.add.f32.msk $0xffff, v3  }
0x96: {  	v5 =	vld [tilespmem:s16+$0x40]  }
.Ltmp0:
0x97: {  	v4 =	vld [tilespmem:s16+$0x50];
	(pc) =	sbr.rel @p0 .LBB2_3-.Ltmp0, $4  }
0x98: {  	v3 =	vld [tilespmem:s16+$0x60]  }
0x99: {  	[tilespmem:s29+$0x0] =	vst.add.f32.msk $0xffff, v7  }
0x9a: {  	[tilespmem:s29+$0x10] =	vst.add.f32.msk $0xffff, v8  }
0x9b: {  	s31 =	sadd.s32 $0x10, s31;
	s0 =	sadd.s32 $0x80, s0;
	[tilespmem:s29+$0x20] =	vst.add.f32.msk $0xffff, v9  }
0x9c: {  	s22 =	sadd.s32 $0x1, s22  }
0x9d: {  	p0 =	sne.s32 s22, $0x10  }
.Ltmp1:
0x9e: {  	[tilespmem:s29+$0x30] =	vst.add.f32.msk $0xffff, v6;
	(pc) =	sbr.rel @p0 .LBB2_2-.Ltmp1, $4  }
0x9f: {  	[tilespmem:s29+$0x40] =	vst.add.f32.msk $0xffff, v5;
	s0 =	sshll.u32 s24, $0xB  }
0xa0: {  	[tilespmem:s29+$0x50] =	vst.add.f32.msk $0xffff, v4;
	s1 =	sshll.u32 s23, $0x12;
	s0 =	sadd.s32 s0, s12  }
0xa1: {  	s15 =	sadd.s32 $0x7, s23;
	[tilespmem:s29+$0x60] =	vst.add.f32.msk $0xffff, v3;
	s0 =	sadd.s32 s1, s0  }
0xa2: {  	[hbm4b:s0+s3] =	stream.linear.scatter [tilespmem:s25], [sflag:s15], $0x4000, $0x38;
	[tilespmem:$0x18200] =	vst v63  }
0xa3: {  	s21 =	sadd.s32 $0x1, s21  }
0xa4: {  	_ =	swait.ge [sflag:s18], $0x4000;
	p0 =	sne.s32 s21, s13  }
.Ltmp2:
0xa5: {  	[sflag:s18] =	ssyncset.done $0x0;
	(pc) =	sbr.rel @p0 .LBB2_1-.Ltmp2, $4  }
0xa6: {  	[sflag:s18] =	ssyncadd.s32 $0xFFFFC000  }
0xa7: {  	_ =	swait.ge [sflag:s20], $0x4000  }
0xa8: {  	[sflag:s20] =	ssyncset.done $0x0  }
0xa9: {  	[sflag:s20] =	ssyncadd.s32 $0xFFFFC000  }
0xaa: {  	_ =	sfence.sel $0x180000  }
0xab: {  	[bflag:$0x0] =	sbarrier.arrive $0xFFFF  }
0xac: {  	_ =	strace $0x90000047  }
0xad: {  	s0 =	stileid.u32;
	[bflag:$0x2] =	sbarrier.arrive $0xFFFF  }
0xae: {  	p0 =	sne.s32 s0, $0x0;
	s0 =	rddreg [dreg:$0x4]  }
0xaf: {  	s0 =	sadd.s32 @!p0 $0x100000, s0  }
0xb0: {  	[sflag:s0] =	ssyncadd.tile.s32 @!p0 $0x1;
	_ =	shalt  }
.Lfunc_end2:
_tile_overlayer_lowered:
.L_overlay_start_2:
0xb1: {  	(tag) =	ssettag $0x2  }
0xb2: {  	s0 =	rddreg [dreg:$0x0];
	s2 =	stileid.u32  }
0xb3: {  	s1 =	rddreg [dreg:$0x1];
	p0 =	sne.s32 s2, $0x0  }
0xb4: {  	s3 =	rddreg [dreg:$0x2];
	[bflag:$0x3] =	sbarrier.arrive $0xFFFF;
	s2 =	simm.s32 @!p0 $0x1C0B  }
0xb5: {  	[timem:s3], [sflag:s2] =	dma.local @!p0 [hbm:s0], s1  }
0xb6: {  	s0 =	simm.s32 @!p0 $0xB  }
0xb7: {  	_ =	swait.ge @!p0 [sflag:s0], s1  }
0xb8: {  	s1 =	ssub.s32 @!p0 $0x0, s1;
	[sflag:s0] =	ssyncset.done @!p0 $0x0  }
0xb9: {  	[sflag:s0] =	ssyncadd.s32 @!p0 s1  }
0xba: {  	[bflag:$0x3] =	sbarrier.arrive $0xFFFF  }
0xbb: {  	_ =	shalt  }

</sc_bundles>
